<compile_context>
chip_gen: v7x
topology: tpu7x:2x2x1
jax: 0.10.2.dev20260603
libtpu: 0.0.44.dev20260713+nightly
codegen_flags: <defaults>
</compile_context>

<pallas_src>
import functools

import jax
import jax.numpy as jnp
from jax import lax
from jax.experimental import pallas as pl
from jax.experimental.pallas import tpu as pltpu
from jax.experimental.pallas import tpu_sc as plsc

_VOCAB = 1000
_DIM = 64
_BATCH = 4096
_HIST = 200

_NC = 2
_NS = 16
_NW = _NC * _NS

_B_PER_W = _BATCH // _NW
_BG = _B_PER_W // 16
_HPAIRS = _HIST // 2

_mesh = plsc.VectorSubcoreMesh(core_axis_name="c", subcore_axis_name="s")


@functools.partial(
    pl.kernel,
    out_type=jax.ShapeDtypeStruct((_HIST, _DIM, _BATCH), jnp.float32),
    mesh=_mesh,
    scratch_types=[
        pltpu.VMEM((_VOCAB * 72,), jnp.float32),
        pltpu.VMEM((_HIST, _B_PER_W), jnp.int32),
        pltpu.VMEM((2, _DIM, _B_PER_W), jnp.float32),
        pltpu.VMEM((2, _DIM, _B_PER_W), jnp.float32),
        pltpu.SemaphoreType.DMA,
        pltpu.SemaphoreType.DMA,
    ],
    compiler_params=pltpu.CompilerParams(use_tc_tiling_on_sc=True,
                                         needs_layout_passes=False),
)
def _emb_lookup(idx_hbm, table_hbm, out_hbm,
                table_v, ids_v, rows0, rows1, sem_w0, sem_w1):
    wid = lax.axis_index("s") * _NC + lax.axis_index("c")
    b0 = wid * _B_PER_W

    pltpu.sync_copy(table_hbm, table_v)
    pltpu.sync_copy(idx_hbm.at[:, pl.ds(b0, _B_PER_W)], ids_v)

    def fill_chunk(hp, rows_v):
        for h2 in range(2):
            h = hp * 2 + h2
            for bg in range(0, _BG, 2):
                addr_a = ids_v[h, pl.ds(bg * 16, 16)] * 72
                addr_b = ids_v[h, pl.ds(bg * 16 + 16, 16)] * 72

                @plsc.parallel_loop(0, _DIM, unroll=4)
                def _(c):
                    rows_v[h2, c, pl.ds(bg * 16, 16)] = plsc.load_gather(
                        table_v, [addr_a + c])
                    rows_v[h2, c, pl.ds(bg * 16 + 16, 16)] = plsc.load_gather(
                        table_v, [addr_b + c])

    def fire_writeout(hp, rows_v, sem):
        pltpu.async_copy(
            rows_v, out_hbm.at[pl.ds(hp * 2, 2), :, pl.ds(b0, _B_PER_W)], sem)

    def wait_writeout(hp, rows_v, sem):
        pltpu.make_async_copy(
            rows_v, out_hbm.at[pl.ds(hp * 2, 2), :, pl.ds(b0, _B_PER_W)],
            sem).wait()

    def body(t, carry):
        a = 2 * t
        b = a + 1

        @pl.when(t > 0)
        def _():
            wait_writeout(a - 2, rows0, sem_w0)

        fill_chunk(a, rows0)
        fire_writeout(a, rows0, sem_w0)

        @pl.when(t > 0)
        def _():
            wait_writeout(b - 2, rows1, sem_w1)

        fill_chunk(b, rows1)
        fire_writeout(b, rows1, sem_w1)
        return carry

    lax.fori_loop(0, _HPAIRS // 2, body, 0)
    wait_writeout(_HPAIRS - 2, rows0, sem_w0)
    wait_writeout(_HPAIRS - 1, rows1, sem_w1)


def kernel(vocab_ids, table):
    ids_t = vocab_ids.astype(jnp.int32).T
    table_p = jnp.pad(table, ((0, 0), (0, 8))).reshape(_VOCAB * 72)
    out_t = _emb_lookup(ids_t, table_p)
    return jnp.transpose(out_t, (2, 0, 1))

# --- scband reference (transcript-rebuilt; emitter-appended) ---
"""Pipeline reference for scband-embedding-40037685133895 (READ-ONLY COPY).

The authoritative reference and input builder live on the scoring server;
editing this copy changes nothing except your own understanding.
"""

import jax, jax.numpy as jnp
import numpy as np

VOCAB = 1000
EMBED_DIM = 64
BATCH = 4096
HIST = 200
PAD_IDX = 0


def setup_inputs(seed: int = 0) -> dict:
    key = jax.random.key(seed)
    k1, k2 = jax.random.split(key)
    # Embedding table initialized uniform in [low=0, high=1), padding row zeroed
    table = jax.random.uniform(k1, (VOCAB, EMBED_DIM), dtype=jnp.float32, minval=0.0, maxval=1.0)
    table = table.at[PAD_IDX].set(0.0)
    vocab_ids = jax.random.randint(k2, (BATCH, HIST), 0, VOCAB, dtype=jnp.int64) if jax.config.jax_enable_x64 else jax.random.randint(k2, (BATCH, HIST), 0, VOCAB, dtype=jnp.int32)
    return {"vocab_ids": vocab_ids, "table": table}


def reference(vocab_ids, table):
    # torch.nn.Embedding lookup -> gather rows
    emb = jnp.take(table, vocab_ids, axis=0)
    # dropout with p=0 is the identity
    return emb

if __name__ == "__main__":
    import jax
    _d = setup_inputs()
    print(jax.jit(kernel)(*tuple(_d.values())))

</pallas_src>

<mosaic_0001>
#map = affine_map<(d0, d1) -> (0, 0)>
#map1 = affine_map<(d0, d1) -> (0)>
#map2 = affine_map<(d0, d1) -> (0, 0, 0)>
module attributes {stable_mosaic.version = 14 : i64} {
  func.func @_emb_lookup(%arg0: i32, %arg1: i32, %arg2: memref<200x4096xi32, #tpu.memory_space<hbm>>, %arg3: memref<72000xf32, #tpu.memory_space<hbm>>, %arg4: memref<200x64x4096xf32, #tpu.memory_space<hbm>>, %arg5: memref<72000xf32, #tpu.memory_space<vmem>>, %arg6: memref<200x128xi32, #tpu.memory_space<vmem>>, %arg7: memref<2x64x128xf32, #tpu.memory_space<vmem>>, %arg8: memref<2x64x128xf32, #tpu.memory_space<vmem>>, %arg9: memref<!tpu.dma_semaphore, #tpu.memory_space<semaphore_mem>>, %arg10: memref<!tpu.dma_semaphore, #tpu.memory_space<semaphore_mem>>) attributes {dimension_semantics = [#tpu.dimension_semantics<core_parallel>, #tpu.dimension_semantics<subcore_parallel>], iteration_bounds = array<i64: 2, 16>, scalar_prefetch = 0 : i64, scratch_operands = 6 : i64, tpu.core_type = #tpu.core_type<sc_vector_subcore>, window_params = [{transform_indices = #map}, {transform_indices = #map1}, {transform_indices = #map2}]} {
    %mul3A = arith.constant 2 : i32
    %mul3A_0 = arith.muli %arg1, %mul3A : i32
    %add3A = arith.addi %mul3A_0, %arg0 : i32
    %mul3A_1 = arith.constant 128 : i32
    %mul3A_2 = arith.muli %add3A, %mul3A_1 : i32
    "tpu.region"() ({
      %run_scoped3A = tpu.sem_alloc : memref<!tpu.dma_semaphore, #tpu.memory_space<semaphore_mem>>
      tpu.enqueue_dma source(%arg3 : memref<72000xf32, #tpu.memory_space<hbm>>) target(%arg5 : memref<72000xf32, #tpu.memory_space<vmem>>) target_semaphore(%run_scoped3A : memref<!tpu.dma_semaphore, #tpu.memory_space<semaphore_mem>>)
      tpu.wait_dma2 semaphore(%run_scoped3A : memref<!tpu.dma_semaphore, #tpu.memory_space<semaphore_mem>>) src(%arg3 : memref<72000xf32, #tpu.memory_space<hbm>>) dst(%arg5 : memref<72000xf32, #tpu.memory_space<vmem>>)
      tpu.yield
    }) : () -> ()
    "tpu.region"() ({
      %run_scoped3A = tpu.sem_alloc : memref<!tpu.dma_semaphore, #tpu.memory_space<semaphore_mem>>
      %dma_start3A = arith.constant 0 : i32
      %dma_start3A_19 = tpu.memref_slice %arg2[%dma_start3A, %mul3A_2] : memref<200x4096xi32, #tpu.memory_space<hbm>> -> memref<200x128xi32, #tpu.memory_space<hbm>>
      %dma_start3A_20 = arith.constant 0 : i32
      %dma_start3A_21 = tpu.memref_slice %arg2[%dma_start3A_20, %mul3A_2] : memref<200x4096xi32, #tpu.memory_space<hbm>> -> memref<200x128xi32, #tpu.memory_space<hbm>>
      tpu.enqueue_dma source(%dma_start3A_21 : memref<200x128xi32, #tpu.memory_space<hbm>>) target(%arg6 : memref<200x128xi32, #tpu.memory_space<vmem>>) target_semaphore(%run_scoped3A : memref<!tpu.dma_semaphore, #tpu.memory_space<semaphore_mem>>)
      %dma_wait3A_22 = arith.constant 0 : i32
      %dma_wait3A_23 = tpu.memref_slice %arg2[%dma_wait3A_22, %mul3A_2] : memref<200x4096xi32, #tpu.memory_space<hbm>> -> memref<200x128xi32, #tpu.memory_space<hbm>>
      %dma_wait3A_24 = arith.constant 0 : i32
      %dma_wait3A_25 = tpu.memref_slice %arg2[%dma_wait3A_24, %mul3A_2] : memref<200x4096xi32, #tpu.memory_space<hbm>> -> memref<200x128xi32, #tpu.memory_space<hbm>>
      tpu.wait_dma2 semaphore(%run_scoped3A : memref<!tpu.dma_semaphore, #tpu.memory_space<semaphore_mem>>) src(%dma_wait3A_25 : memref<200x128xi32, #tpu.memory_space<hbm>>) dst(%arg6 : memref<200x128xi32, #tpu.memory_space<vmem>>)
      tpu.yield
    }) : () -> ()
    %scan3A = arith.constant 0 : i32
    %scan3A_3 = arith.constant 0 : i32
    %scan3A_4 = arith.constant 50 : i32
    %scan3A_5 = arith.addi %scan3A_3, %scan3A_4 : i32
    %scan3A_6 = arith.constant 1 : i32
    scf.for %scan3A_19 = %scan3A_3 to %scan3A_5 step %scan3A_6  : i32 {
      %mul3A_20 = arith.constant 2 : i32
      %mul3A_21 = arith.muli %mul3A_20, %scan3A_19 : i32
      %add3A_22 = arith.constant 1 : i32
      %add3A_23 = arith.addi %mul3A_21, %add3A_22 : i32
      %gt3A = arith.constant 0 : i32
      %gt3A_24 = arith.cmpi sgt, %scan3A_19, %gt3A : i32
      %convert_element_type3A = arith.extui %gt3A_24 : i1 to i32
      %cond3A = arith.constant 0 : i32
      %cond3A_25 = arith.cmpi ne, %convert_element_type3A, %cond3A : i32
      scf.if %cond3A_25 {
        %sub3A = arith.constant 2 : i32
        %sub3A_296 = arith.subi %mul3A_21, %sub3A : i32
        %mul3A_297 = arith.constant 2 : i32
        %mul3A_298 = arith.muli %sub3A_296, %mul3A_297 : i32
        %dma_wait3A_299 = arith.constant 0 : i32
        %dma_wait3A_300 = tpu.memref_slice %arg4[%mul3A_298, %dma_wait3A_299, %mul3A_2] : memref<200x64x4096xf32, #tpu.memory_space<hbm>> -> memref<2x64x128xf32, #tpu.memory_space<hbm>>
        %dma_wait3A_301 = arith.constant 0 : i32
        %dma_wait3A_302 = tpu.memref_slice %arg4[%mul3A_298, %dma_wait3A_301, %mul3A_2] : memref<200x64x4096xf32, #tpu.memory_space<hbm>> -> memref<2x64x128xf32, #tpu.memory_space<hbm>>
        tpu.wait_dma2 semaphore(%arg9 : memref<!tpu.dma_semaphore, #tpu.memory_space<semaphore_mem>>) src(%arg7 : memref<2x64x128xf32, #tpu.memory_space<vmem>>) dst(%dma_wait3A_302 : memref<2x64x128xf32, #tpu.memory_space<hbm>>)
      } else {
      }
      %mul3A_26 = arith.constant 2 : i32
      %mul3A_27 = arith.muli %mul3A_21, %mul3A_26 : i32
      %add3A_28 = arith.constant 0 : i32
      %add3A_29 = arith.addi %mul3A_27, %add3A_28 : i32
      %get3A = arith.index_cast %add3A_29 : i32 to index
      %get3A_30 = arith.constant 0 : index
      %get3A_31 = tpu.vector_load %arg6[%get3A, %get3A_30] {strides = array<i32>} : memref<200x128xi32, #tpu.memory_space<vmem>>, vector<16xi32>,
      %mul3A_32 = arith.constant 72 : i32
      %mul3A_33 = vector.broadcast %mul3A_32 : i32 to vector<16xi32>
      %mul3A_34 = arith.muli %get3A_31, %mul3A_33 : vector<16xi32>
      %get3A_35 = arith.index_cast %add3A_29 : i32 to index
      %get3A_36 = arith.constant 16 : index
      %get3A_37 = tpu.vector_load %arg6[%get3A_35, %get3A_36] {strides = array<i32>} : memref<200x128xi32, #tpu.memory_space<vmem>>, vector<16xi32>,
      %mul3A_38 = arith.constant 72 : i32
      %mul3A_39 = vector.broadcast %mul3A_38 : i32 to vector<16xi32>
      %mul3A_40 = arith.muli %get3A_37, %mul3A_39 : vector<16xi32>
      %parallel_loop3A = arith.constant 0 : i32
      %parallel_loop3A_41 = arith.constant 64 : i32
      %parallel_loop3A_42 = arith.constant 1 : i32
      scf.for %parallel_loop3A_296 = %parallel_loop3A to %parallel_loop3A_41 step %parallel_loop3A_42  : i32 {
        %parallel_loop3A_297 = vector.broadcast %parallel_loop3A_296 : i32 to vector<16xi32>
        %parallel_loop3A_298 = arith.addi %mul3A_34, %parallel_loop3A_297 : vector<16xi32>
        %parallel_loop3A_299 = tpu.vector_load_idx %arg5[%parallel_loop3A_298] : memref<72000xf32, #tpu.memory_space<vmem>>[vector<16xi32>], vector<16xf32>,
        %parallel_loop3A_300 = arith.constant 0 : i32
        %parallel_loop3A_301 = arith.index_cast %parallel_loop3A_300 : i32 to index
        %parallel_loop3A_302 = arith.index_cast %parallel_loop3A_296 : i32 to index
        %parallel_loop3A_303 = arith.constant 0 : index
        %parallel_loop3A_304 = tpu.vector_load %arg7[%parallel_loop3A_301, %parallel_loop3A_302, %parallel_loop3A_303] {strides = array<i32>} : memref<2x64x128xf32, #tpu.memory_space<vmem>>, vector<16xf32>,
        tpu.vector_store %arg7[%parallel_loop3A_301, %parallel_loop3A_302, %parallel_loop3A_303], %parallel_loop3A_299 {strides = array<i32>} : memref<2x64x128xf32, #tpu.memory_space<vmem>>, vector<16xf32>,
        %parallel_loop3A_305 = vector.broadcast %parallel_loop3A_296 : i32 to vector<16xi32>
        %parallel_loop3A_306 = arith.addi %mul3A_40, %parallel_loop3A_305 : vector<16xi32>
        %parallel_loop3A_307 = tpu.vector_load_idx %arg5[%parallel_loop3A_306] : memref<72000xf32, #tpu.memory_space<vmem>>[vector<16xi32>], vector<16xf32>,
        %parallel_loop3A_308 = arith.constant 0 : i32
        %parallel_loop3A_309 = arith.index_cast %parallel_loop3A_308 : i32 to index
        %parallel_loop3A_310 = arith.index_cast %parallel_loop3A_296 : i32 to index
        %parallel_loop3A_311 = arith.constant 16 : index
        %parallel_loop3A_312 = tpu.vector_load %arg7[%parallel_loop3A_309, %parallel_loop3A_310, %parallel_loop3A_311] {strides = array<i32>} : memref<2x64x128xf32, #tpu.memory_space<vmem>>, vector<16xf32>,
        tpu.vector_store %arg7[%parallel_loop3A_309, %parallel_loop3A_310, %parallel_loop3A_311], %parallel_loop3A_307 {strides = array<i32>} : memref<2x64x128xf32, #tpu.memory_space<vmem>>, vector<16xf32>,
      } {sc.loop_unroll_factor = 4 : i64, sc.parallel_access}
      %get3A_43 = arith.index_cast %add3A_29 : i32 to index
      %get3A_44 = arith.constant 32 : index
      %get3A_45 = tpu.vector_load %arg6[%get3A_43, %get3A_44] {strides = array<i32>} : memref<200x128xi32, #tpu.memory_space<vmem>>, vector<16xi32>,
      %mul3A_46 = arith.constant 72 : i32
      %mul3A_47 = vector.broadcast %mul3A_46 : i32 to vector<16xi32>
      %mul3A_48 = arith.muli %get3A_45, %mul3A_47 : vector<16xi32>
      %get3A_49 = arith.index_cast %add3A_29 : i32 to index
      %get3A_50 = arith.constant 48 : index
      %get3A_51 = tpu.vector_load %arg6[%get3A_49, %get3A_50] {strides = array<i32>} : memref<200x128xi32, #tpu.memory_space<vmem>>, vector<16xi32>,
      %mul3A_52 = arith.constant 72 : i32
      %mul3A_53 = vector.broadcast %mul3A_52 : i32 to vector<16xi32>
      %mul3A_54 = arith.muli %get3A_51, %mul3A_53 : vector<16xi32>
      %parallel_loop3A_55 = arith.constant 0 : i32
      %parallel_loop3A_56 = arith.constant 64 : i32
      %parallel_loop3A_57 = arith.constant 1 : i32
      scf.for %parallel_loop3A_296 = %parallel_loop3A_55 to %parallel_loop3A_56 step %parallel_loop3A_57  : i32 {
        %parallel_loop3A_297 = vector.broadcast %parallel_loop3A_296 : i32 to vector<16xi32>
        %parallel_loop3A_298 = arith.addi %mul3A_48, %parallel_loop3A_297 : vector<16xi32>
        %parallel_loop3A_299 = tpu.vector_load_idx %arg5[%parallel_loop3A_298] : memref<72000xf32, #tpu.memory_space<vmem>>[vector<16xi32>], vector<16xf32>,
        %parallel_loop3A_300 = arith.constant 0 : i32
        %parallel_loop3A_301 = arith.index_cast %parallel_loop3A_300 : i32 to index
        %parallel_loop3A_302 = arith.index_cast %parallel_loop3A_296 : i32 to index
        %parallel_loop3A_303 = arith.constant 32 : index
        %parallel_loop3A_304 = tpu.vector_load %arg7[%parallel_loop3A_301, %parallel_loop3A_302, %parallel_loop3A_303] {strides = array<i32>} : memref<2x64x128xf32, #tpu.memory_space<vmem>>, vector<16xf32>,
        tpu.vector_store %arg7[%parallel_loop3A_301, %parallel_loop3A_302, %parallel_loop3A_303], %parallel_loop3A_299 {strides = array<i32>} : memref<2x64x128xf32, #tpu.memory_space<vmem>>, vector<16xf32>,
        %parallel_loop3A_305 = vector.broadcast %parallel_loop3A_296 : i32 to vector<16xi32>
        %parallel_loop3A_306 = arith.addi %mul3A_54, %parallel_loop3A_305 : vector<16xi32>
        %parallel_loop3A_307 = tpu.vector_load_idx %arg5[%parallel_loop3A_306] : memref<72000xf32, #tpu.memory_space<vmem>>[vector<16xi32>], vector<16xf32>,
        %parallel_loop3A_308 = arith.constant 0 : i32
        %parallel_loop3A_309 = arith.index_cast %parallel_loop3A_308 : i32 to index
        %parallel_loop3A_310 = arith.index_cast %parallel_loop3A_296 : i32 to index
        %parallel_loop3A_311 = arith.constant 48 : index
        %parallel_loop3A_312 = tpu.vector_load %arg7[%parallel_loop3A_309, %parallel_loop3A_310, %parallel_loop3A_311] {strides = array<i32>} : memref<2x64x128xf32, #tpu.memory_space<vmem>>, vector<16xf32>,
        tpu.vector_store %arg7[%parallel_loop3A_309, %parallel_loop3A_310, %parallel_loop3A_311], %parallel_loop3A_307 {strides = array<i32>} : memref<2x64x128xf32, #tpu.memory_space<vmem>>, vector<16xf32>,
      } {sc.loop_unroll_factor = 4 : i64, sc.parallel_access}
      %get3A_58 = arith.index_cast %add3A_29 : i32 to index
      %get3A_59 = arith.constant 64 : index
      %get3A_60 = tpu.vector_load %arg6[%get3A_58, %get3A_59] {strides = array<i32>} : memref<200x128xi32, #tpu.memory_space<vmem>>, vector<16xi32>,
      %mul3A_61 = arith.constant 72 : i32
      %mul3A_62 = vector.broadcast %mul3A_61 : i32 to vector<16xi32>
      %mul3A_63 = arith.muli %get3A_60, %mul3A_62 : vector<16xi32>
      %get3A_64 = arith.index_cast %add3A_29 : i32 to index
      %get3A_65 = arith.constant 80 : index
      %get3A_66 = tpu.vector_load %arg6[%get3A_64, %get3A_65] {strides = array<i32>} : memref<200x128xi32, #tpu.memory_space<vmem>>, vector<16xi32>,
      %mul3A_67 = arith.constant 72 : i32
      %mul3A_68 = vector.broadcast %mul3A_67 : i32 to vector<16xi32>
      %mul3A_69 = arith.muli %get3A_66, %mul3A_68 : vector<16xi32>
      %parallel_loop3A_70 = arith.constant 0 : i32
      %parallel_loop3A_71 = arith.constant 64 : i32
      %parallel_loop3A_72 = arith.constant 1 : i32
      scf.for %parallel_loop3A_296 = %parallel_loop3A_70 to %parallel_loop3A_71 step %parallel_loop3A_72  : i32 {
        %parallel_loop3A_297 = vector.broadcast %parallel_loop3A_296 : i32 to vector<16xi32>
        %parallel_loop3A_298 = arith.addi %mul3A_63, %parallel_loop3A_297 : vector<16xi32>
        %parallel_loop3A_299 = tpu.vector_load_idx %arg5[%parallel_loop3A_298] : memref<72000xf32, #tpu.memory_space<vmem>>[vector<16xi32>], vector<16xf32>,
        %parallel_loop3A_300 = arith.constant 0 : i32
        %parallel_loop3A_301 = arith.index_cast %parallel_loop3A_300 : i32 to index
        %parallel_loop3A_302 = arith.index_cast %parallel_loop3A_296 : i32 to index
        %parallel_loop3A_303 = arith.constant 64 : index
        %parallel_loop3A_304 = tpu.vector_load %arg7[%parallel_loop3A_301, %parallel_loop3A_302, %parallel_loop3A_303] {strides = array<i32>} : memref<2x64x128xf32, #tpu.memory_space<vmem>>, vector<16xf32>,
        tpu.vector_store %arg7[%parallel_loop3A_301, %parallel_loop3A_302, %parallel_loop3A_303], %parallel_loop3A_299 {strides = array<i32>} : memref<2x64x128xf32, #tpu.memory_space<vmem>>, vector<16xf32>,
        %parallel_loop3A_305 = vector.broadcast %parallel_loop3A_296 : i32 to vector<16xi32>
        %parallel_loop3A_306 = arith.addi %mul3A_69, %parallel_loop3A_305 : vector<16xi32>
        %parallel_loop3A_307 = tpu.vector_load_idx %arg5[%parallel_loop3A_306] : memref<72000xf32, #tpu.memory_space<vmem>>[vector<16xi32>], vector<16xf32>,
        %parallel_loop3A_308 = arith.constant 0 : i32
        %parallel_loop3A_309 = arith.index_cast %parallel_loop3A_308 : i32 to index
        %parallel_loop3A_310 = arith.index_cast %parallel_loop3A_296 : i32 to index
        %parallel_loop3A_311 = arith.constant 80 : index
        %parallel_loop3A_312 = tpu.vector_load %arg7[%parallel_loop3A_309, %parallel_loop3A_310, %parallel_loop3A_311] {strides = array<i32>} : memref<2x64x128xf32, #tpu.memory_space<vmem>>, vector<16xf32>,
        tpu.vector_store %arg7[%parallel_loop3A_309, %parallel_loop3A_310, %parallel_loop3A_311], %parallel_loop3A_307 {strides = array<i32>} : memref<2x64x128xf32, #tpu.memory_space<vmem>>, vector<16xf32>,
      } {sc.loop_unroll_factor = 4 : i64, sc.parallel_access}
      %get3A_73 = arith.index_cast %add3A_29 : i32 to index
      %get3A_74 = arith.constant 96 : index
      %get3A_75 = tpu.vector_load %arg6[%get3A_73, %get3A_74] {strides = array<i32>} : memref<200x128xi32, #tpu.memory_space<vmem>>, vector<16xi32>,
      %mul3A_76 = arith.constant 72 : i32
      %mul3A_77 = vector.broadcast %mul3A_76 : i32 to vector<16xi32>
      %mul3A_78 = arith.muli %get3A_75, %mul3A_77 : vector<16xi32>
      %get3A_79 = arith.index_cast %add3A_29 : i32 to index
      %get3A_80 = arith.constant 112 : index
      %get3A_81 = tpu.vector_load %arg6[%get3A_79, %get3A_80] {strides = array<i32>} : memref<200x128xi32, #tpu.memory_space<vmem>>, vector<16xi32>,
      %mul3A_82 = arith.constant 72 : i32
      %mul3A_83 = vector.broadcast %mul3A_82 : i32 to vector<16xi32>
      %mul3A_84 = arith.muli %get3A_81, %mul3A_83 : vector<16xi32>
      %parallel_loop3A_85 = arith.constant 0 : i32
      %parallel_loop3A_86 = arith.constant 64 : i32
      %parallel_loop3A_87 = arith.constant 1 : i32
      scf.for %parallel_loop3A_296 = %parallel_loop3A_85 to %parallel_loop3A_86 step %parallel_loop3A_87  : i32 {
        %parallel_loop3A_297 = vector.broadcast %parallel_loop3A_296 : i32 to vector<16xi32>
        %parallel_loop3A_298 = arith.addi %mul3A_78, %parallel_loop3A_297 : vector<16xi32>
        %parallel_loop3A_299 = tpu.vector_load_idx %arg5[%parallel_loop3A_298] : memref<72000xf32, #tpu.memory_space<vmem>>[vector<16xi32>], vector<16xf32>,
        %parallel_loop3A_300 = arith.constant 0 : i32
        %parallel_loop3A_301 = arith.index_cast %parallel_loop3A_300 : i32 to index
        %parallel_loop3A_302 = arith.index_cast %parallel_loop3A_296 : i32 to index
        %parallel_loop3A_303 = arith.constant 96 : index
        %parallel_loop3A_304 = tpu.vector_load %arg7[%parallel_loop3A_301, %parallel_loop3A_302, %parallel_loop3A_303] {strides = array<i32>} : memref<2x64x128xf32, #tpu.memory_space<vmem>>, vector<16xf32>,
        tpu.vector_store %arg7[%parallel_loop3A_301, %parallel_loop3A_302, %parallel_loop3A_303], %parallel_loop3A_299 {strides = array<i32>} : memref<2x64x128xf32, #tpu.memory_space<vmem>>, vector<16xf32>,
        %parallel_loop3A_305 = vector.broadcast %parallel_loop3A_296 : i32 to vector<16xi32>
        %parallel_loop3A_306 = arith.addi %mul3A_84, %parallel_loop3A_305 : vector<16xi32>
        %parallel_loop3A_307 = tpu.vector_load_idx %arg5[%parallel_loop3A_306] : memref<72000xf32, #tpu.memory_space<vmem>>[vector<16xi32>], vector<16xf32>,
        %parallel_loop3A_308 = arith.constant 0 : i32
        %parallel_loop3A_309 = arith.index_cast %parallel_loop3A_308 : i32 to index
        %parallel_loop3A_310 = arith.index_cast %parallel_loop3A_296 : i32 to index
        %parallel_loop3A_311 = arith.constant 112 : index
        %parallel_loop3A_312 = tpu.vector_load %arg7[%parallel_loop3A_309, %parallel_loop3A_310, %parallel_loop3A_311] {strides = array<i32>} : memref<2x64x128xf32, #tpu.memory_space<vmem>>, vector<16xf32>,
        tpu.vector_store %arg7[%parallel_loop3A_309, %parallel_loop3A_310, %parallel_loop3A_311], %parallel_loop3A_307 {strides = array<i32>} : memref<2x64x128xf32, #tpu.memory_space<vmem>>, vector<16xf32>,
      } {sc.loop_unroll_factor = 4 : i64, sc.parallel_access}
      %mul3A_88 = arith.constant 2 : i32
      %mul3A_89 = arith.muli %mul3A_21, %mul3A_88 : i32
      %add3A_90 = arith.constant 1 : i32
      %add3A_91 = arith.addi %mul3A_89, %add3A_90 : i32
      %get3A_92 = arith.index_cast %add3A_91 : i32 to index
      %get3A_93 = arith.constant 0 : index
      %get3A_94 = tpu.vector_load %arg6[%get3A_92, %get3A_93] {strides = array<i32>} : memref<200x128xi32, #tpu.memory_space<vmem>>, vector<16xi32>,
      %mul3A_95 = arith.constant 72 : i32
      %mul3A_96 = vector.broadcast %mul3A_95 : i32 to vector<16xi32>
      %mul3A_97 = arith.muli %get3A_94, %mul3A_96 : vector<16xi32>
      %get3A_98 = arith.index_cast %add3A_91 : i32 to index
      %get3A_99 = arith.constant 16 : index
      %get3A_100 = tpu.vector_load %arg6[%get3A_98, %get3A_99] {strides = array<i32>} : memref<200x128xi32, #tpu.memory_space<vmem>>, vector<16xi32>,
      %mul3A_101 = arith.constant 72 : i32
      %mul3A_102 = vector.broadcast %mul3A_101 : i32 to vector<16xi32>
      %mul3A_103 = arith.muli %get3A_100, %mul3A_102 : vector<16xi32>
      %parallel_loop3A_104 = arith.constant 0 : i32
      %parallel_loop3A_105 = arith.constant 64 : i32
      %parallel_loop3A_106 = arith.constant 1 : i32
      scf.for %parallel_loop3A_296 = %parallel_loop3A_104 to %parallel_loop3A_105 step %parallel_loop3A_106  : i32 {
        %parallel_loop3A_297 = vector.broadcast %parallel_loop3A_296 : i32 to vector<16xi32>
        %parallel_loop3A_298 = arith.addi %mul3A_97, %parallel_loop3A_297 : vector<16xi32>
        %parallel_loop3A_299 = tpu.vector_load_idx %arg5[%parallel_loop3A_298] : memref<72000xf32, #tpu.memory_space<vmem>>[vector<16xi32>], vector<16xf32>,
        %parallel_loop3A_300 = arith.constant 1 : i32
        %parallel_loop3A_301 = arith.index_cast %parallel_loop3A_300 : i32 to index
        %parallel_loop3A_302 = arith.index_cast %parallel_loop3A_296 : i32 to index
        %parallel_loop3A_303 = arith.constant 0 : index
        %parallel_loop3A_304 = tpu.vector_load %arg7[%parallel_loop3A_301, %parallel_loop3A_302, %parallel_loop3A_303] {strides = array<i32>} : memref<2x64x128xf32, #tpu.memory_space<vmem>>, vector<16xf32>,
        tpu.vector_store %arg7[%parallel_loop3A_301, %parallel_loop3A_302, %parallel_loop3A_303], %parallel_loop3A_299 {strides = array<i32>} : memref<2x64x128xf32, #tpu.memory_space<vmem>>, vector<16xf32>,
        %parallel_loop3A_305 = vector.broadcast %parallel_loop3A_296 : i32 to vector<16xi32>
        %parallel_loop3A_306 = arith.addi %mul3A_103, %parallel_loop3A_305 : vector<16xi32>
        %parallel_loop3A_307 = tpu.vector_load_idx %arg5[%parallel_loop3A_306] : memref<72000xf32, #tpu.memory_space<vmem>>[vector<16xi32>], vector<16xf32>,
        %parallel_loop3A_308 = arith.constant 1 : i32
        %parallel_loop3A_309 = arith.index_cast %parallel_loop3A_308 : i32 to index
        %parallel_loop3A_310 = arith.index_cast %parallel_loop3A_296 : i32 to index
        %parallel_loop3A_311 = arith.constant 16 : index
        %parallel_loop3A_312 = tpu.vector_load %arg7[%parallel_loop3A_309, %parallel_loop3A_310, %parallel_loop3A_311] {strides = array<i32>} : memref<2x64x128xf32, #tpu.memory_space<vmem>>, vector<16xf32>,
        tpu.vector_store %arg7[%parallel_loop3A_309, %parallel_loop3A_310, %parallel_loop3A_311], %parallel_loop3A_307 {strides = array<i32>} : memref<2x64x128xf32, #tpu.memory_space<vmem>>, vector<16xf32>,
      } {sc.loop_unroll_factor = 4 : i64, sc.parallel_access}
      %get3A_107 = arith.index_cast %add3A_91 : i32 to index
      %get3A_108 = arith.constant 32 : index
      %get3A_109 = tpu.vector_load %arg6[%get3A_107, %get3A_108] {strides = array<i32>} : memref<200x128xi32, #tpu.memory_space<vmem>>, vector<16xi32>,
      %mul3A_110 = arith.constant 72 : i32
      %mul3A_111 = vector.broadcast %mul3A_110 : i32 to vector<16xi32>
      %mul3A_112 = arith.muli %get3A_109, %mul3A_111 : vector<16xi32>
      %get3A_113 = arith.index_cast %add3A_91 : i32 to index
      %get3A_114 = arith.constant 48 : index
      %get3A_115 = tpu.vector_load %arg6[%get3A_113, %get3A_114] {strides = array<i32>} : memref<200x128xi32, #tpu.memory_space<vmem>>, vector<16xi32>,
      %mul3A_116 = arith.constant 72 : i32
      %mul3A_117 = vector.broadcast %mul3A_116 : i32 to vector<16xi32>
      %mul3A_118 = arith.muli %get3A_115, %mul3A_117 : vector<16xi32>
      %parallel_loop3A_119 = arith.constant 0 : i32
      %parallel_loop3A_120 = arith.constant 64 : i32
      %parallel_loop3A_121 = arith.constant 1 : i32
      scf.for %parallel_loop3A_296 = %parallel_loop3A_119 to %parallel_loop3A_120 step %parallel_loop3A_121  : i32 {
        %parallel_loop3A_297 = vector.broadcast %parallel_loop3A_296 : i32 to vector<16xi32>
        %parallel_loop3A_298 = arith.addi %mul3A_112, %parallel_loop3A_297 : vector<16xi32>
        %parallel_loop3A_299 = tpu.vector_load_idx %arg5[%parallel_loop3A_298] : memref<72000xf32, #tpu.memory_space<vmem>>[vector<16xi32>], vector<16xf32>,
        %parallel_loop3A_300 = arith.constant 1 : i32
        %parallel_loop3A_301 = arith.index_cast %parallel_loop3A_300 : i32 to index
        %parallel_loop3A_302 = arith.index_cast %parallel_loop3A_296 : i32 to index
        %parallel_loop3A_303 = arith.constant 32 : index
        %parallel_loop3A_304 = tpu.vector_load %arg7[%parallel_loop3A_301, %parallel_loop3A_302, %parallel_loop3A_303] {strides = array<i32>} : memref<2x64x128xf32, #tpu.memory_space<vmem>>, vector<16xf32>,
        tpu.vector_store %arg7[%parallel_loop3A_301, %parallel_loop3A_302, %parallel_loop3A_303], %parallel_loop3A_299 {strides = array<i32>} : memref<2x64x128xf32, #tpu.memory_space<vmem>>, vector<16xf32>,
        %parallel_loop3A_305 = vector.broadcast %parallel_loop3A_296 : i32 to vector<16xi32>
        %parallel_loop3A_306 = arith.addi %mul3A_118, %parallel_loop3A_305 : vector<16xi32>
        %parallel_loop3A_307 = tpu.vector_load_idx %arg5[%parallel_loop3A_306] : memref<72000xf32, #tpu.memory_space<vmem>>[vector<16xi32>], vector<16xf32>,
        %parallel_loop3A_308 = arith.constant 1 : i32
        %parallel_loop3A_309 = arith.index_cast %parallel_loop3A_308 : i32 to index
        %parallel_loop3A_310 = arith.index_cast %parallel_loop3A_296 : i32 to index
        %parallel_loop3A_311 = arith.constant 48 : index
        %parallel_loop3A_312 = tpu.vector_load %arg7[%parallel_loop3A_309, %parallel_loop3A_310, %parallel_loop3A_311] {strides = array<i32>} : memref<2x64x128xf32, #tpu.memory_space<vmem>>, vector<16xf32>,
        tpu.vector_store %arg7[%parallel_loop3A_309, %parallel_loop3A_310, %parallel_loop3A_311], %parallel_loop3A_307 {strides = array<i32>} : memref<2x64x128xf32, #tpu.memory_space<vmem>>, vector<16xf32>,
      } {sc.loop_unroll_factor = 4 : i64, sc.parallel_access}
      %get3A_122 = arith.index_cast %add3A_91 : i32 to index
      %get3A_123 = arith.constant 64 : index
      %get3A_124 = tpu.vector_load %arg6[%get3A_122, %get3A_123] {strides = array<i32>} : memref<200x128xi32, #tpu.memory_space<vmem>>, vector<16xi32>,
      %mul3A_125 = arith.constant 72 : i32
      %mul3A_126 = vector.broadcast %mul3A_125 : i32 to vector<16xi32>
      %mul3A_127 = arith.muli %get3A_124, %mul3A_126 : vector<16xi32>
      %get3A_128 = arith.index_cast %add3A_91 : i32 to index
      %get3A_129 = arith.constant 80 : index
      %get3A_130 = tpu.vector_load %arg6[%get3A_128, %get3A_129] {strides = array<i32>} : memref<200x128xi32, #tpu.memory_space<vmem>>, vector<16xi32>,
      %mul3A_131 = arith.constant 72 : i32
      %mul3A_132 = vector.broadcast %mul3A_131 : i32 to vector<16xi32>
      %mul3A_133 = arith.muli %get3A_130, %mul3A_132 : vector<16xi32>
      %parallel_loop3A_134 = arith.constant 0 : i32
      %parallel_loop3A_135 = arith.constant 64 : i32
      %parallel_loop3A_136 = arith.constant 1 : i32
      scf.for %parallel_loop3A_296 = %parallel_loop3A_134 to %parallel_loop3A_135 step %parallel_loop3A_136  : i32 {
        %parallel_loop3A_297 = vector.broadcast %parallel_loop3A_296 : i32 to vector<16xi32>
        %parallel_loop3A_298 = arith.addi %mul3A_127, %parallel_loop3A_297 : vector<16xi32>
        %parallel_loop3A_299 = tpu.vector_load_idx %arg5[%parallel_loop3A_298] : memref<72000xf32, #tpu.memory_space<vmem>>[vector<16xi32>], vector<16xf32>,
        %parallel_loop3A_300 = arith.constant 1 : i32
        %parallel_loop3A_301 = arith.index_cast %parallel_loop3A_300 : i32 to index
        %parallel_loop3A_302 = arith.index_cast %parallel_loop3A_296 : i32 to index
        %parallel_loop3A_303 = arith.constant 64 : index
        %parallel_loop3A_304 = tpu.vector_load %arg7[%parallel_loop3A_301, %parallel_loop3A_302, %parallel_loop3A_303] {strides = array<i32>} : memref<2x64x128xf32, #tpu.memory_space<vmem>>, vector<16xf32>,
        tpu.vector_store %arg7[%parallel_loop3A_301, %parallel_loop3A_302, %parallel_loop3A_303], %parallel_loop3A_299 {strides = array<i32>} : memref<2x64x128xf32, #tpu.memory_space<vmem>>, vector<16xf32>,
        %parallel_loop3A_305 = vector.broadcast %parallel_loop3A_296 : i32 to vector<16xi32>
        %parallel_loop3A_306 = arith.addi %mul3A_133, %parallel_loop3A_305 : vector<16xi32>
        %parallel_loop3A_307 = tpu.vector_load_idx %arg5[%parallel_loop3A_306] : memref<72000xf32, #tpu.memory_space<vmem>>[vector<16xi32>], vector<16xf32>,
        %parallel_loop3A_308 = arith.constant 1 : i32
        %parallel_loop3A_309 = arith.index_cast %parallel_loop3A_308 : i32 to index
        %parallel_loop3A_310 = arith.index_cast %parallel_loop3A_296 : i32 to index
        %parallel_loop3A_311 = arith.constant 80 : index
        %parallel_loop3A_312 = tpu.vector_load %arg7[%parallel_loop3A_309, %parallel_loop3A_310, %parallel_loop3A_311] {strides = array<i32>} : memref<2x64x128xf32, #tpu.memory_space<vmem>>, vector<16xf32>,
        tpu.vector_store %arg7[%parallel_loop3A_309, %parallel_loop3A_310, %parallel_loop3A_311], %parallel_loop3A_307 {strides = array<i32>} : memref<2x64x128xf32, #tpu.memory_space<vmem>>, vector<16xf32>,
      } {sc.loop_unroll_factor = 4 : i64, sc.parallel_access}
      %get3A_137 = arith.index_cast %add3A_91 : i32 to index
      %get3A_138 = arith.constant 96 : index
      %get3A_139 = tpu.vector_load %arg6[%get3A_137, %get3A_138] {strides = array<i32>} : memref<200x128xi32, #tpu.memory_space<vmem>>, vector<16xi32>,
      %mul3A_140 = arith.constant 72 : i32
      %mul3A_141 = vector.broadcast %mul3A_140 : i32 to vector<16xi32>
      %mul3A_142 = arith.muli %get3A_139, %mul3A_141 : vector<16xi32>
      %get3A_143 = arith.index_cast %add3A_91 : i32 to index
      %get3A_144 = arith.constant 112 : index
      %get3A_145 = tpu.vector_load %arg6[%get3A_143, %get3A_144] {strides = array<i32>} : memref<200x128xi32, #tpu.memory_space<vmem>>, vector<16xi32>,
      %mul3A_146 = arith.constant 72 : i32
      %mul3A_147 = vector.broadcast %mul3A_146 : i32 to vector<16xi32>
      %mul3A_148 = arith.muli %get3A_145, %mul3A_147 : vector<16xi32>
      %parallel_loop3A_149 = arith.constant 0 : i32
      %parallel_loop3A_150 = arith.constant 64 : i32
      %parallel_loop3A_151 = arith.constant 1 : i32
      scf.for %parallel_loop3A_296 = %parallel_loop3A_149 to %parallel_loop3A_150 step %parallel_loop3A_151  : i32 {
        %parallel_loop3A_297 = vector.broadcast %parallel_loop3A_296 : i32 to vector<16xi32>
        %parallel_loop3A_298 = arith.addi %mul3A_142, %parallel_loop3A_297 : vector<16xi32>
        %parallel_loop3A_299 = tpu.vector_load_idx %arg5[%parallel_loop3A_298] : memref<72000xf32, #tpu.memory_space<vmem>>[vector<16xi32>], vector<16xf32>,
        %parallel_loop3A_300 = arith.constant 1 : i32
        %parallel_loop3A_301 = arith.index_cast %parallel_loop3A_300 : i32 to index
        %parallel_loop3A_302 = arith.index_cast %parallel_loop3A_296 : i32 to index
        %parallel_loop3A_303 = arith.constant 96 : index
        %parallel_loop3A_304 = tpu.vector_load %arg7[%parallel_loop3A_301, %parallel_loop3A_302, %parallel_loop3A_303] {strides = array<i32>} : memref<2x64x128xf32, #tpu.memory_space<vmem>>, vector<16xf32>,
        tpu.vector_store %arg7[%parallel_loop3A_301, %parallel_loop3A_302, %parallel_loop3A_303], %parallel_loop3A_299 {strides = array<i32>} : memref<2x64x128xf32, #tpu.memory_space<vmem>>, vector<16xf32>,
        %parallel_loop3A_305 = vector.broadcast %parallel_loop3A_296 : i32 to vector<16xi32>
        %parallel_loop3A_306 = arith.addi %mul3A_148, %parallel_loop3A_305 : vector<16xi32>
        %parallel_loop3A_307 = tpu.vector_load_idx %arg5[%parallel_loop3A_306] : memref<72000xf32, #tpu.memory_space<vmem>>[vector<16xi32>], vector<16xf32>,
        %parallel_loop3A_308 = arith.constant 1 : i32
        %parallel_loop3A_309 = arith.index_cast %parallel_loop3A_308 : i32 to index
        %parallel_loop3A_310 = arith.index_cast %parallel_loop3A_296 : i32 to index
        %parallel_loop3A_311 = arith.constant 112 : index
        %parallel_loop3A_312 = tpu.vector_load %arg7[%parallel_loop3A_309, %parallel_loop3A_310, %parallel_loop3A_311] {strides = array<i32>} : memref<2x64x128xf32, #tpu.memory_space<vmem>>, vector<16xf32>,
        tpu.vector_store %arg7[%parallel_loop3A_309, %parallel_loop3A_310, %parallel_loop3A_311], %parallel_loop3A_307 {strides = array<i32>} : memref<2x64x128xf32, #tpu.memory_space<vmem>>, vector<16xf32>,
      } {sc.loop_unroll_factor = 4 : i64, sc.parallel_access}
      %mul3A_152 = arith.constant 2 : i32
      %mul3A_153 = arith.muli %mul3A_21, %mul3A_152 : i32
      %dma_start3A = arith.constant 0 : i32
      %dma_start3A_154 = tpu.memref_slice %arg4[%mul3A_153, %dma_start3A, %mul3A_2] : memref<200x64x4096xf32, #tpu.memory_space<hbm>> -> memref<2x64x128xf32, #tpu.memory_space<hbm>>
      %dma_start3A_155 = arith.constant 0 : i32
      %dma_start3A_156 = tpu.memref_slice %arg4[%mul3A_153, %dma_start3A_155, %mul3A_2] : memref<200x64x4096xf32, #tpu.memory_space<hbm>> -> memref<2x64x128xf32, #tpu.memory_space<hbm>>
      tpu.enqueue_dma source(%arg7 : memref<2x64x128xf32, #tpu.memory_space<vmem>>) target(%dma_start3A_156 : memref<2x64x128xf32, #tpu.memory_space<hbm>>) target_semaphore(%arg9 : memref<!tpu.dma_semaphore, #tpu.memory_space<semaphore_mem>>)
      %gt3A_157 = arith.constant 0 : i32
      %gt3A_158 = arith.cmpi sgt, %scan3A_19, %gt3A_157 : i32
      %convert_element_type3A_159 = arith.extui %gt3A_158 : i1 to i32
      %cond3A_160 = arith.constant 0 : i32
      %cond3A_161 = arith.cmpi ne, %convert_element_type3A_159, %cond3A_160 : i32
      scf.if %cond3A_161 {
        %sub3A = arith.constant 2 : i32
        %sub3A_296 = arith.subi %add3A_23, %sub3A : i32
        %mul3A_297 = arith.constant 2 : i32
        %mul3A_298 = arith.muli %sub3A_296, %mul3A_297 : i32
        %dma_wait3A_299 = arith.constant 0 : i32
        %dma_wait3A_300 = tpu.memref_slice %arg4[%mul3A_298, %dma_wait3A_299, %mul3A_2] : memref<200x64x4096xf32, #tpu.memory_space<hbm>> -> memref<2x64x128xf32, #tpu.memory_space<hbm>>
        %dma_wait3A_301 = arith.constant 0 : i32
        %dma_wait3A_302 = tpu.memref_slice %arg4[%mul3A_298, %dma_wait3A_301, %mul3A_2] : memref<200x64x4096xf32, #tpu.memory_space<hbm>> -> memref<2x64x128xf32, #tpu.memory_space<hbm>>
        tpu.wait_dma2 semaphore(%arg10 : memref<!tpu.dma_semaphore, #tpu.memory_space<semaphore_mem>>) src(%arg8 : memref<2x64x128xf32, #tpu.memory_space<vmem>>) dst(%dma_wait3A_302 : memref<2x64x128xf32, #tpu.memory_space<hbm>>)
      } else {
      }
      %mul3A_162 = arith.constant 2 : i32
      %mul3A_163 = arith.muli %add3A_23, %mul3A_162 : i32
      %add3A_164 = arith.constant 0 : i32
      %add3A_165 = arith.addi %mul3A_163, %add3A_164 : i32
      %get3A_166 = arith.index_cast %add3A_165 : i32 to index
      %get3A_167 = arith.constant 0 : index
      %get3A_168 = tpu.vector_load %arg6[%get3A_166, %get3A_167] {strides = array<i32>} : memref<200x128xi32, #tpu.memory_space<vmem>>, vector<16xi32>,
      %mul3A_169 = arith.constant 72 : i32
      %mul3A_170 = vector.broadcast %mul3A_169 : i32 to vector<16xi32>
      %mul3A_171 = arith.muli %get3A_168, %mul3A_170 : vector<16xi32>
      %get3A_172 = arith.index_cast %add3A_165 : i32 to index
      %get3A_173 = arith.constant 16 : index
      %get3A_174 = tpu.vector_load %arg6[%get3A_172, %get3A_173] {strides = array<i32>} : memref<200x128xi32, #tpu.memory_space<vmem>>, vector<16xi32>,
      %mul3A_175 = arith.constant 72 : i32
      %mul3A_176 = vector.broadcast %mul3A_175 : i32 to vector<16xi32>
      %mul3A_177 = arith.muli %get3A_174, %mul3A_176 : vector<16xi32>
      %parallel_loop3A_178 = arith.constant 0 : i32
      %parallel_loop3A_179 = arith.constant 64 : i32
      %parallel_loop3A_180 = arith.constant 1 : i32
      scf.for %parallel_loop3A_296 = %parallel_loop3A_178 to %parallel_loop3A_179 step %parallel_loop3A_180  : i32 {
        %parallel_loop3A_297 = vector.broadcast %parallel_loop3A_296 : i32 to vector<16xi32>
        %parallel_loop3A_298 = arith.addi %mul3A_171, %parallel_loop3A_297 : vector<16xi32>
        %parallel_loop3A_299 = tpu.vector_load_idx %arg5[%parallel_loop3A_298] : memref<72000xf32, #tpu.memory_space<vmem>>[vector<16xi32>], vector<16xf32>,
        %parallel_loop3A_300 = arith.constant 0 : i32
        %parallel_loop3A_301 = arith.index_cast %parallel_loop3A_300 : i32 to index
        %parallel_loop3A_302 = arith.index_cast %parallel_loop3A_296 : i32 to index
        %parallel_loop3A_303 = arith.constant 0 : index
        %parallel_loop3A_304 = tpu.vector_load %arg8[%parallel_loop3A_301, %parallel_loop3A_302, %parallel_loop3A_303] {strides = array<i32>} : memref<2x64x128xf32, #tpu.memory_space<vmem>>, vector<16xf32>,
        tpu.vector_store %arg8[%parallel_loop3A_301, %parallel_loop3A_302, %parallel_loop3A_303], %parallel_loop3A_299 {strides = array<i32>} : memref<2x64x128xf32, #tpu.memory_space<vmem>>, vector<16xf32>,
        %parallel_loop3A_305 = vector.broadcast %parallel_loop3A_296 : i32 to vector<16xi32>
        %parallel_loop3A_306 = arith.addi %mul3A_177, %parallel_loop3A_305 : vector<16xi32>
        %parallel_loop3A_307 = tpu.vector_load_idx %arg5[%parallel_loop3A_306] : memref<72000xf32, #tpu.memory_space<vmem>>[vector<16xi32>], vector<16xf32>,
        %parallel_loop3A_308 = arith.constant 0 : i32
        %parallel_loop3A_309 = arith.index_cast %parallel_loop3A_308 : i32 to index
        %parallel_loop3A_310 = arith.index_cast %parallel_loop3A_296 : i32 to index
        %parallel_loop3A_311 = arith.constant 16 : index
        %parallel_loop3A_312 = tpu.vector_load %arg8[%parallel_loop3A_309, %parallel_loop3A_310, %parallel_loop3A_311] {strides = array<i32>} : memref<2x64x128xf32, #tpu.memory_space<vmem>>, vector<16xf32>,
        tpu.vector_store %arg8[%parallel_loop3A_309, %parallel_loop3A_310, %parallel_loop3A_311], %parallel_loop3A_307 {strides = array<i32>} : memref<2x64x128xf32, #tpu.memory_space<vmem>>, vector<16xf32>,
      } {sc.loop_unroll_factor = 4 : i64, sc.parallel_access}
      %get3A_181 = arith.index_cast %add3A_165 : i32 to index
      %get3A_182 = arith.constant 32 : index
      %get3A_183 = tpu.vector_load %arg6[%get3A_181, %get3A_182] {strides = array<i32>} : memref<200x128xi32, #tpu.memory_space<vmem>>, vector<16xi32>,
      %mul3A_184 = arith.constant 72 : i32
      %mul3A_185 = vector.broadcast %mul3A_184 : i32 to vector<16xi32>
      %mul3A_186 = arith.muli %get3A_183, %mul3A_185 : vector<16xi32>
      %get3A_187 = arith.index_cast %add3A_165 : i32 to index
      %get3A_188 = arith.constant 48 : index
      %get3A_189 = tpu.vector_load %arg6[%get3A_187, %get3A_188] {strides = array<i32>} : memref<200x128xi32, #tpu.memory_space<vmem>>, vector<16xi32>,
      %mul3A_190 = arith.constant 72 : i32
      %mul3A_191 = vector.broadcast %mul3A_190 : i32 to vector<16xi32>
      %mul3A_192 = arith.muli %get3A_189, %mul3A_191 : vector<16xi32>
      %parallel_loop3A_193 = arith.constant 0 : i32
      %parallel_loop3A_194 = arith.constant 64 : i32
      %parallel_loop3A_195 = arith.constant 1 : i32
      scf.for %parallel_loop3A_296 = %parallel_loop3A_193 to %parallel_loop3A_194 step %parallel_loop3A_195  : i32 {
        %parallel_loop3A_297 = vector.broadcast %parallel_loop3A_296 : i32 to vector<16xi32>
        %parallel_loop3A_298 = arith.addi %mul3A_186, %parallel_loop3A_297 : vector<16xi32>
        %parallel_loop3A_299 = tpu.vector_load_idx %arg5[%parallel_loop3A_298] : memref<72000xf32, #tpu.memory_space<vmem>>[vector<16xi32>], vector<16xf32>,
        %parallel_loop3A_300 = arith.constant 0 : i32
        %parallel_loop3A_301 = arith.index_cast %parallel_loop3A_300 : i32 to index
        %parallel_loop3A_302 = arith.index_cast %parallel_loop3A_296 : i32 to index
        %parallel_loop3A_303 = arith.constant 32 : index
        %parallel_loop3A_304 = tpu.vector_load %arg8[%parallel_loop3A_301, %parallel_loop3A_302, %parallel_loop3A_303] {strides = array<i32>} : memref<2x64x128xf32, #tpu.memory_space<vmem>>, vector<16xf32>,
        tpu.vector_store %arg8[%parallel_loop3A_301, %parallel_loop3A_302, %parallel_loop3A_303], %parallel_loop3A_299 {strides = array<i32>} : memref<2x64x128xf32, #tpu.memory_space<vmem>>, vector<16xf32>,
        %parallel_loop3A_305 = vector.broadcast %parallel_loop3A_296 : i32 to vector<16xi32>
        %parallel_loop3A_306 = arith.addi %mul3A_192, %parallel_loop3A_305 : vector<16xi32>
        %parallel_loop3A_307 = tpu.vector_load_idx %arg5[%parallel_loop3A_306] : memref<72000xf32, #tpu.memory_space<vmem>>[vector<16xi32>], vector<16xf32>,
        %parallel_loop3A_308 = arith.constant 0 : i32
        %parallel_loop3A_309 = arith.index_cast %parallel_loop3A_308 : i32 to index
        %parallel_loop3A_310 = arith.index_cast %parallel_loop3A_296 : i32 to index
        %parallel_loop3A_311 = arith.constant 48 : index
        %parallel_loop3A_312 = tpu.vector_load %arg8[%parallel_loop3A_309, %parallel_loop3A_310, %parallel_loop3A_311] {strides = array<i32>} : memref<2x64x128xf32, #tpu.memory_space<vmem>>, vector<16xf32>,
        tpu.vector_store %arg8[%parallel_loop3A_309, %parallel_loop3A_310, %parallel_loop3A_311], %parallel_loop3A_307 {strides = array<i32>} : memref<2x64x128xf32, #tpu.memory_space<vmem>>, vector<16xf32>,
      } {sc.loop_unroll_factor = 4 : i64, sc.parallel_access}
      %get3A_196 = arith.index_cast %add3A_165 : i32 to index
      %get3A_197 = arith.constant 64 : index
      %get3A_198 = tpu.vector_load %arg6[%get3A_196, %get3A_197] {strides = array<i32>} : memref<200x128xi32, #tpu.memory_space<vmem>>, vector<16xi32>,
      %mul3A_199 = arith.constant 72 : i32
      %mul3A_200 = vector.broadcast %mul3A_199 : i32 to vector<16xi32>
      %mul3A_201 = arith.muli %get3A_198, %mul3A_200 : vector<16xi32>
      %get3A_202 = arith.index_cast %add3A_165 : i32 to index
      %get3A_203 = arith.constant 80 : index
      %get3A_204 = tpu.vector_load %arg6[%get3A_202, %get3A_203] {strides = array<i32>} : memref<200x128xi32, #tpu.memory_space<vmem>>, vector<16xi32>,
      %mul3A_205 = arith.constant 72 : i32
      %mul3A_206 = vector.broadcast %mul3A_205 : i32 to vector<16xi32>
      %mul3A_207 = arith.muli %get3A_204, %mul3A_206 : vector<16xi32>
      %parallel_loop3A_208 = arith.constant 0 : i32
      %parallel_loop3A_209 = arith.constant 64 : i32
      %parallel_loop3A_210 = arith.constant 1 : i32
      scf.for %parallel_loop3A_296 = %parallel_loop3A_208 to %parallel_loop3A_209 step %parallel_loop3A_210  : i32 {
        %parallel_loop3A_297 = vector.broadcast %parallel_loop3A_296 : i32 to vector<16xi32>
        %parallel_loop3A_298 = arith.addi %mul3A_201, %parallel_loop3A_297 : vector<16xi32>
        %parallel_loop3A_299 = tpu.vector_load_idx %arg5[%parallel_loop3A_298] : memref<72000xf32, #tpu.memory_space<vmem>>[vector<16xi32>], vector<16xf32>,
        %parallel_loop3A_300 = arith.constant 0 : i32
        %parallel_loop3A_301 = arith.index_cast %parallel_loop3A_300 : i32 to index
        %parallel_loop3A_302 = arith.index_cast %parallel_loop3A_296 : i32 to index
        %parallel_loop3A_303 = arith.constant 64 : index
        %parallel_loop3A_304 = tpu.vector_load %arg8[%parallel_loop3A_301, %parallel_loop3A_302, %parallel_loop3A_303] {strides = array<i32>} : memref<2x64x128xf32, #tpu.memory_space<vmem>>, vector<16xf32>,
        tpu.vector_store %arg8[%parallel_loop3A_301, %parallel_loop3A_302, %parallel_loop3A_303], %parallel_loop3A_299 {strides = array<i32>} : memref<2x64x128xf32, #tpu.memory_space<vmem>>, vector<16xf32>,
        %parallel_loop3A_305 = vector.broadcast %parallel_loop3A_296 : i32 to vector<16xi32>
        %parallel_loop3A_306 = arith.addi %mul3A_207, %parallel_loop3A_305 : vector<16xi32>
        %parallel_loop3A_307 = tpu.vector_load_idx %arg5[%parallel_loop3A_306] : memref<72000xf32, #tpu.memory_space<vmem>>[vector<16xi32>], vector<16xf32>,
        %parallel_loop3A_308 = arith.constant 0 : i32
        %parallel_loop3A_309 = arith.index_cast %parallel_loop3A_308 : i32 to index
        %parallel_loop3A_310 = arith.index_cast %parallel_loop3A_296 : i32 to index
        %parallel_loop3A_311 = arith.constant 80 : index
        %parallel_loop3A_312 = tpu.vector_load %arg8[%parallel_loop3A_309, %parallel_loop3A_310, %parallel_loop3A_311] {strides = array<i32>} : memref<2x64x128xf32, #tpu.memory_space<vmem>>, vector<16xf32>,
        tpu.vector_store %arg8[%parallel_loop3A_309, %parallel_loop3A_310, %parallel_loop3A_311], %parallel_loop3A_307 {strides = array<i32>} : memref<2x64x128xf32, #tpu.memory_space<vmem>>, vector<16xf32>,
      } {sc.loop_unroll_factor = 4 : i64, sc.parallel_access}
      %get3A_211 = arith.index_cast %add3A_165 : i32 to index
      %get3A_212 = arith.constant 96 : index
      %get3A_213 = tpu.vector_load %arg6[%get3A_211, %get3A_212] {strides = array<i32>} : memref<200x128xi32, #tpu.memory_space<vmem>>, vector<16xi32>,
      %mul3A_214 = arith.constant 72 : i32
      %mul3A_215 = vector.broadcast %mul3A_214 : i32 to vector<16xi32>
      %mul3A_216 = arith.muli %get3A_213, %mul3A_215 : vector<16xi32>
      %get3A_217 = arith.index_cast %add3A_165 : i32 to index
      %get3A_218 = arith.constant 112 : index
      %get3A_219 = tpu.vector_load %arg6[%get3A_217, %get3A_218] {strides = array<i32>} : memref<200x128xi32, #tpu.memory_space<vmem>>, vector<16xi32>,
      %mul3A_220 = arith.constant 72 : i32
      %mul3A_221 = vector.broadcast %mul3A_220 : i32 to vector<16xi32>
      %mul3A_222 = arith.muli %get3A_219, %mul3A_221 : vector<16xi32>
      %parallel_loop3A_223 = arith.constant 0 : i32
      %parallel_loop3A_224 = arith.constant 64 : i32
      %parallel_loop3A_225 = arith.constant 1 : i32
      scf.for %parallel_loop3A_296 = %parallel_loop3A_223 to %parallel_loop3A_224 step %parallel_loop3A_225  : i32 {
        %parallel_loop3A_297 = vector.broadcast %parallel_loop3A_296 : i32 to vector<16xi32>
        %parallel_loop3A_298 = arith.addi %mul3A_216, %parallel_loop3A_297 : vector<16xi32>
        %parallel_loop3A_299 = tpu.vector_load_idx %arg5[%parallel_loop3A_298] : memref<72000xf32, #tpu.memory_space<vmem>>[vector<16xi32>], vector<16xf32>,
        %parallel_loop3A_300 = arith.constant 0 : i32
        %parallel_loop3A_301 = arith.index_cast %parallel_loop3A_300 : i32 to index
        %parallel_loop3A_302 = arith.index_cast %parallel_loop3A_296 : i32 to index
        %parallel_loop3A_303 = arith.constant 96 : index
        %parallel_loop3A_304 = tpu.vector_load %arg8[%parallel_loop3A_301, %parallel_loop3A_302, %parallel_loop3A_303] {strides = array<i32>} : memref<2x64x128xf32, #tpu.memory_space<vmem>>, vector<16xf32>,
        tpu.vector_store %arg8[%parallel_loop3A_301, %parallel_loop3A_302, %parallel_loop3A_303], %parallel_loop3A_299 {strides = array<i32>} : memref<2x64x128xf32, #tpu.memory_space<vmem>>, vector<16xf32>,
        %parallel_loop3A_305 = vector.broadcast %parallel_loop3A_296 : i32 to vector<16xi32>
        %parallel_loop3A_306 = arith.addi %mul3A_222, %parallel_loop3A_305 : vector<16xi32>
        %parallel_loop3A_307 = tpu.vector_load_idx %arg5[%parallel_loop3A_306] : memref<72000xf32, #tpu.memory_space<vmem>>[vector<16xi32>], vector<16xf32>,
        %parallel_loop3A_308 = arith.constant 0 : i32
        %parallel_loop3A_309 = arith.index_cast %parallel_loop3A_308 : i32 to index
        %parallel_loop3A_310 = arith.index_cast %parallel_loop3A_296 : i32 to index
        %parallel_loop3A_311 = arith.constant 112 : index
        %parallel_loop3A_312 = tpu.vector_load %arg8[%parallel_loop3A_309, %parallel_loop3A_310, %parallel_loop3A_311] {strides = array<i32>} : memref<2x64x128xf32, #tpu.memory_space<vmem>>, vector<16xf32>,
        tpu.vector_store %arg8[%parallel_loop3A_309, %parallel_loop3A_310, %parallel_loop3A_311], %parallel_loop3A_307 {strides = array<i32>} : memref<2x64x128xf32, #tpu.memory_space<vmem>>, vector<16xf32>,
      } {sc.loop_unroll_factor = 4 : i64, sc.parallel_access}
      %mul3A_226 = arith.constant 2 : i32
      %mul3A_227 = arith.muli %add3A_23, %mul3A_226 : i32
      %add3A_228 = arith.constant 1 : i32
      %add3A_229 = arith.addi %mul3A_227, %add3A_228 : i32
      %get3A_230 = arith.index_cast %add3A_229 : i32 to index
      %get3A_231 = arith.constant 0 : index
      %get3A_232 = tpu.vector_load %arg6[%get3A_230, %get3A_231] {strides = array<i32>} : memref<200x128xi32, #tpu.memory_space<vmem>>, vector<16xi32>,
      %mul3A_233 = arith.constant 72 : i32
      %mul3A_234 = vector.broadcast %mul3A_233 : i32 to vector<16xi32>
      %mul3A_235 = arith.muli %get3A_232, %mul3A_234 : vector<16xi32>
      %get3A_236 = arith.index_cast %add3A_229 : i32 to index
      %get3A_237 = arith.constant 16 : index
      %get3A_238 = tpu.vector_load %arg6[%get3A_236, %get3A_237] {strides = array<i32>} : memref<200x128xi32, #tpu.memory_space<vmem>>, vector<16xi32>,
      %mul3A_239 = arith.constant 72 : i32
      %mul3A_240 = vector.broadcast %mul3A_239 : i32 to vector<16xi32>
      %mul3A_241 = arith.muli %get3A_238, %mul3A_240 : vector<16xi32>
      %parallel_loop3A_242 = arith.constant 0 : i32
      %parallel_loop3A_243 = arith.constant 64 : i32
      %parallel_loop3A_244 = arith.constant 1 : i32
      scf.for %parallel_loop3A_296 = %parallel_loop3A_242 to %parallel_loop3A_243 step %parallel_loop3A_244  : i32 {
        %parallel_loop3A_297 = vector.broadcast %parallel_loop3A_296 : i32 to vector<16xi32>
        %parallel_loop3A_298 = arith.addi %mul3A_235, %parallel_loop3A_297 : vector<16xi32>
        %parallel_loop3A_299 = tpu.vector_load_idx %arg5[%parallel_loop3A_298] : memref<72000xf32, #tpu.memory_space<vmem>>[vector<16xi32>], vector<16xf32>,
        %parallel_loop3A_300 = arith.constant 1 : i32
        %parallel_loop3A_301 = arith.index_cast %parallel_loop3A_300 : i32 to index
        %parallel_loop3A_302 = arith.index_cast %parallel_loop3A_296 : i32 to index
        %parallel_loop3A_303 = arith.constant 0 : index
        %parallel_loop3A_304 = tpu.vector_load %arg8[%parallel_loop3A_301, %parallel_loop3A_302, %parallel_loop3A_303] {strides = array<i32>} : memref<2x64x128xf32, #tpu.memory_space<vmem>>, vector<16xf32>,
        tpu.vector_store %arg8[%parallel_loop3A_301, %parallel_loop3A_302, %parallel_loop3A_303], %parallel_loop3A_299 {strides = array<i32>} : memref<2x64x128xf32, #tpu.memory_space<vmem>>, vector<16xf32>,
        %parallel_loop3A_305 = vector.broadcast %parallel_loop3A_296 : i32 to vector<16xi32>
        %parallel_loop3A_306 = arith.addi %mul3A_241, %parallel_loop3A_305 : vector<16xi32>
        %parallel_loop3A_307 = tpu.vector_load_idx %arg5[%parallel_loop3A_306] : memref<72000xf32, #tpu.memory_space<vmem>>[vector<16xi32>], vector<16xf32>,
        %parallel_loop3A_308 = arith.constant 1 : i32
        %parallel_loop3A_309 = arith.index_cast %parallel_loop3A_308 : i32 to index
        %parallel_loop3A_310 = arith.index_cast %parallel_loop3A_296 : i32 to index
        %parallel_loop3A_311 = arith.constant 16 : index
        %parallel_loop3A_312 = tpu.vector_load %arg8[%parallel_loop3A_309, %parallel_loop3A_310, %parallel_loop3A_311] {strides = array<i32>} : memref<2x64x128xf32, #tpu.memory_space<vmem>>, vector<16xf32>,
        tpu.vector_store %arg8[%parallel_loop3A_309, %parallel_loop3A_310, %parallel_loop3A_311], %parallel_loop3A_307 {strides = array<i32>} : memref<2x64x128xf32, #tpu.memory_space<vmem>>, vector<16xf32>,
      } {sc.loop_unroll_factor = 4 : i64, sc.parallel_access}
      %get3A_245 = arith.index_cast %add3A_229 : i32 to index
      %get3A_246 = arith.constant 32 : index
      %get3A_247 = tpu.vector_load %arg6[%get3A_245, %get3A_246] {strides = array<i32>} : memref<200x128xi32, #tpu.memory_space<vmem>>, vector<16xi32>,
      %mul3A_248 = arith.constant 72 : i32
      %mul3A_249 = vector.broadcast %mul3A_248 : i32 to vector<16xi32>
      %mul3A_250 = arith.muli %get3A_247, %mul3A_249 : vector<16xi32>
      %get3A_251 = arith.index_cast %add3A_229 : i32 to index
      %get3A_252 = arith.constant 48 : index
      %get3A_253 = tpu.vector_load %arg6[%get3A_251, %get3A_252] {strides = array<i32>} : memref<200x128xi32, #tpu.memory_space<vmem>>, vector<16xi32>,
      %mul3A_254 = arith.constant 72 : i32
      %mul3A_255 = vector.broadcast %mul3A_254 : i32 to vector<16xi32>
      %mul3A_256 = arith.muli %get3A_253, %mul3A_255 : vector<16xi32>
      %parallel_loop3A_257 = arith.constant 0 : i32
      %parallel_loop3A_258 = arith.constant 64 : i32
      %parallel_loop3A_259 = arith.constant 1 : i32
      scf.for %parallel_loop3A_296 = %parallel_loop3A_257 to %parallel_loop3A_258 step %parallel_loop3A_259  : i32 {
        %parallel_loop3A_297 = vector.broadcast %parallel_loop3A_296 : i32 to vector<16xi32>
        %parallel_loop3A_298 = arith.addi %mul3A_250, %parallel_loop3A_297 : vector<16xi32>
        %parallel_loop3A_299 = tpu.vector_load_idx %arg5[%parallel_loop3A_298] : memref<72000xf32, #tpu.memory_space<vmem>>[vector<16xi32>], vector<16xf32>,
        %parallel_loop3A_300 = arith.constant 1 : i32
        %parallel_loop3A_301 = arith.index_cast %parallel_loop3A_300 : i32 to index
        %parallel_loop3A_302 = arith.index_cast %parallel_loop3A_296 : i32 to index
        %parallel_loop3A_303 = arith.constant 32 : index
        %parallel_loop3A_304 = tpu.vector_load %arg8[%parallel_loop3A_301, %parallel_loop3A_302, %parallel_loop3A_303] {strides = array<i32>} : memref<2x64x128xf32, #tpu.memory_space<vmem>>, vector<16xf32>,
        tpu.vector_store %arg8[%parallel_loop3A_301, %parallel_loop3A_302, %parallel_loop3A_303], %parallel_loop3A_299 {strides = array<i32>} : memref<2x64x128xf32, #tpu.memory_space<vmem>>, vector<16xf32>,
        %parallel_loop3A_305 = vector.broadcast %parallel_loop3A_296 : i32 to vector<16xi32>
        %parallel_loop3A_306 = arith.addi %mul3A_256, %parallel_loop3A_305 : vector<16xi32>
        %parallel_loop3A_307 = tpu.vector_load_idx %arg5[%parallel_loop3A_306] : memref<72000xf32, #tpu.memory_space<vmem>>[vector<16xi32>], vector<16xf32>,
        %parallel_loop3A_308 = arith.constant 1 : i32
        %parallel_loop3A_309 = arith.index_cast %parallel_loop3A_308 : i32 to index
        %parallel_loop3A_310 = arith.index_cast %parallel_loop3A_296 : i32 to index
        %parallel_loop3A_311 = arith.constant 48 : index
        %parallel_loop3A_312 = tpu.vector_load %arg8[%parallel_loop3A_309, %parallel_loop3A_310, %parallel_loop3A_311] {strides = array<i32>} : memref<2x64x128xf32, #tpu.memory_space<vmem>>, vector<16xf32>,
        tpu.vector_store %arg8[%parallel_loop3A_309, %parallel_loop3A_310, %parallel_loop3A_311], %parallel_loop3A_307 {strides = array<i32>} : memref<2x64x128xf32, #tpu.memory_space<vmem>>, vector<16xf32>,
      } {sc.loop_unroll_factor = 4 : i64, sc.parallel_access}
      %get3A_260 = arith.index_cast %add3A_229 : i32 to index
      %get3A_261 = arith.constant 64 : index
      %get3A_262 = tpu.vector_load %arg6[%get3A_260, %get3A_261] {strides = array<i32>} : memref<200x128xi32, #tpu.memory_space<vmem>>, vector<16xi32>,
      %mul3A_263 = arith.constant 72 : i32
      %mul3A_264 = vector.broadcast %mul3A_263 : i32 to vector<16xi32>
      %mul3A_265 = arith.muli %get3A_262, %mul3A_264 : vector<16xi32>
      %get3A_266 = arith.index_cast %add3A_229 : i32 to index
      %get3A_267 = arith.constant 80 : index
      %get3A_268 = tpu.vector_load %arg6[%get3A_266, %get3A_267] {strides = array<i32>} : memref<200x128xi32, #tpu.memory_space<vmem>>, vector<16xi32>,
      %mul3A_269 = arith.constant 72 : i32
      %mul3A_270 = vector.broadcast %mul3A_269 : i32 to vector<16xi32>
      %mul3A_271 = arith.muli %get3A_268, %mul3A_270 : vector<16xi32>
      %parallel_loop3A_272 = arith.constant 0 : i32
      %parallel_loop3A_273 = arith.constant 64 : i32
      %parallel_loop3A_274 = arith.constant 1 : i32
      scf.for %parallel_loop3A_296 = %parallel_loop3A_272 to %parallel_loop3A_273 step %parallel_loop3A_274  : i32 {
        %parallel_loop3A_297 = vector.broadcast %parallel_loop3A_296 : i32 to vector<16xi32>
        %parallel_loop3A_298 = arith.addi %mul3A_265, %parallel_loop3A_297 : vector<16xi32>
        %parallel_loop3A_299 = tpu.vector_load_idx %arg5[%parallel_loop3A_298] : memref<72000xf32, #tpu.memory_space<vmem>>[vector<16xi32>], vector<16xf32>,
        %parallel_loop3A_300 = arith.constant 1 : i32
        %parallel_loop3A_301 = arith.index_cast %parallel_loop3A_300 : i32 to index
        %parallel_loop3A_302 = arith.index_cast %parallel_loop3A_296 : i32 to index
        %parallel_loop3A_303 = arith.constant 64 : index
        %parallel_loop3A_304 = tpu.vector_load %arg8[%parallel_loop3A_301, %parallel_loop3A_302, %parallel_loop3A_303] {strides = array<i32>} : memref<2x64x128xf32, #tpu.memory_space<vmem>>, vector<16xf32>,
        tpu.vector_store %arg8[%parallel_loop3A_301, %parallel_loop3A_302, %parallel_loop3A_303], %parallel_loop3A_299 {strides = array<i32>} : memref<2x64x128xf32, #tpu.memory_space<vmem>>, vector<16xf32>,
        %parallel_loop3A_305 = vector.broadcast %parallel_loop3A_296 : i32 to vector<16xi32>
        %parallel_loop3A_306 = arith.addi %mul3A_271, %parallel_loop3A_305 : vector<16xi32>
        %parallel_loop3A_307 = tpu.vector_load_idx %arg5[%parallel_loop3A_306] : memref<72000xf32, #tpu.memory_space<vmem>>[vector<16xi32>], vector<16xf32>,
        %parallel_loop3A_308 = arith.constant 1 : i32
        %parallel_loop3A_309 = arith.index_cast %parallel_loop3A_308 : i32 to index
        %parallel_loop3A_310 = arith.index_cast %parallel_loop3A_296 : i32 to index
        %parallel_loop3A_311 = arith.constant 80 : index
        %parallel_loop3A_312 = tpu.vector_load %arg8[%parallel_loop3A_309, %parallel_loop3A_310, %parallel_loop3A_311] {strides = array<i32>} : memref<2x64x128xf32, #tpu.memory_space<vmem>>, vector<16xf32>,
        tpu.vector_store %arg8[%parallel_loop3A_309, %parallel_loop3A_310, %parallel_loop3A_311], %parallel_loop3A_307 {strides = array<i32>} : memref<2x64x128xf32, #tpu.memory_space<vmem>>, vector<16xf32>,
      } {sc.loop_unroll_factor = 4 : i64, sc.parallel_access}
      %get3A_275 = arith.index_cast %add3A_229 : i32 to index
      %get3A_276 = arith.constant 96 : index
      %get3A_277 = tpu.vector_load %arg6[%get3A_275, %get3A_276] {strides = array<i32>} : memref<200x128xi32, #tpu.memory_space<vmem>>, vector<16xi32>,
      %mul3A_278 = arith.constant 72 : i32
      %mul3A_279 = vector.broadcast %mul3A_278 : i32 to vector<16xi32>
      %mul3A_280 = arith.muli %get3A_277, %mul3A_279 : vector<16xi32>
      %get3A_281 = arith.index_cast %add3A_229 : i32 to index
      %get3A_282 = arith.constant 112 : index
      %get3A_283 = tpu.vector_load %arg6[%get3A_281, %get3A_282] {strides = array<i32>} : memref<200x128xi32, #tpu.memory_space<vmem>>, vector<16xi32>,
      %mul3A_284 = arith.constant 72 : i32
      %mul3A_285 = vector.broadcast %mul3A_284 : i32 to vector<16xi32>
      %mul3A_286 = arith.muli %get3A_283, %mul3A_285 : vector<16xi32>
      %parallel_loop3A_287 = arith.constant 0 : i32
      %parallel_loop3A_288 = arith.constant 64 : i32
      %parallel_loop3A_289 = arith.constant 1 : i32
      scf.for %parallel_loop3A_296 = %parallel_loop3A_287 to %parallel_loop3A_288 step %parallel_loop3A_289  : i32 {
        %parallel_loop3A_297 = vector.broadcast %parallel_loop3A_296 : i32 to vector<16xi32>
        %parallel_loop3A_298 = arith.addi %mul3A_280, %parallel_loop3A_297 : vector<16xi32>
        %parallel_loop3A_299 = tpu.vector_load_idx %arg5[%parallel_loop3A_298] : memref<72000xf32, #tpu.memory_space<vmem>>[vector<16xi32>], vector<16xf32>,
        %parallel_loop3A_300 = arith.constant 1 : i32
        %parallel_loop3A_301 = arith.index_cast %parallel_loop3A_300 : i32 to index
        %parallel_loop3A_302 = arith.index_cast %parallel_loop3A_296 : i32 to index
        %parallel_loop3A_303 = arith.constant 96 : index
        %parallel_loop3A_304 = tpu.vector_load %arg8[%parallel_loop3A_301, %parallel_loop3A_302, %parallel_loop3A_303] {strides = array<i32>} : memref<2x64x128xf32, #tpu.memory_space<vmem>>, vector<16xf32>,
        tpu.vector_store %arg8[%parallel_loop3A_301, %parallel_loop3A_302, %parallel_loop3A_303], %parallel_loop3A_299 {strides = array<i32>} : memref<2x64x128xf32, #tpu.memory_space<vmem>>, vector<16xf32>,
        %parallel_loop3A_305 = vector.broadcast %parallel_loop3A_296 : i32 to vector<16xi32>
        %parallel_loop3A_306 = arith.addi %mul3A_286, %parallel_loop3A_305 : vector<16xi32>
        %parallel_loop3A_307 = tpu.vector_load_idx %arg5[%parallel_loop3A_306] : memref<72000xf32, #tpu.memory_space<vmem>>[vector<16xi32>], vector<16xf32>,
        %parallel_loop3A_308 = arith.constant 1 : i32
        %parallel_loop3A_309 = arith.index_cast %parallel_loop3A_308 : i32 to index
        %parallel_loop3A_310 = arith.index_cast %parallel_loop3A_296 : i32 to index
        %parallel_loop3A_311 = arith.constant 112 : index
        %parallel_loop3A_312 = tpu.vector_load %arg8[%parallel_loop3A_309, %parallel_loop3A_310, %parallel_loop3A_311] {strides = array<i32>} : memref<2x64x128xf32, #tpu.memory_space<vmem>>, vector<16xf32>,
        tpu.vector_store %arg8[%parallel_loop3A_309, %parallel_loop3A_310, %parallel_loop3A_311], %parallel_loop3A_307 {strides = array<i32>} : memref<2x64x128xf32, #tpu.memory_space<vmem>>, vector<16xf32>,
      } {sc.loop_unroll_factor = 4 : i64, sc.parallel_access}
      %mul3A_290 = arith.constant 2 : i32
      %mul3A_291 = arith.muli %add3A_23, %mul3A_290 : i32
      %dma_start3A_292 = arith.constant 0 : i32
      %dma_start3A_293 = tpu.memref_slice %arg4[%mul3A_291, %dma_start3A_292, %mul3A_2] : memref<200x64x4096xf32, #tpu.memory_space<hbm>> -> memref<2x64x128xf32, #tpu.memory_space<hbm>>
      %dma_start3A_294 = arith.constant 0 : i32
      %dma_start3A_295 = tpu.memref_slice %arg4[%mul3A_291, %dma_start3A_294, %mul3A_2] : memref<200x64x4096xf32, #tpu.memory_space<hbm>> -> memref<2x64x128xf32, #tpu.memory_space<hbm>>
      tpu.enqueue_dma source(%arg8 : memref<2x64x128xf32, #tpu.memory_space<vmem>>) target(%dma_start3A_295 : memref<2x64x128xf32, #tpu.memory_space<hbm>>) target_semaphore(%arg10 : memref<!tpu.dma_semaphore, #tpu.memory_space<semaphore_mem>>)
    }
    %scan3A_7 = arith.constant 50 : i32
    %dma_wait3A = arith.constant 196 : i32
    %dma_wait3A_8 = arith.constant 0 : i32
    %dma_wait3A_9 = tpu.memref_slice %arg4[%dma_wait3A, %dma_wait3A_8, %mul3A_2] : memref<200x64x4096xf32, #tpu.memory_space<hbm>> -> memref<2x64x128xf32, #tpu.memory_space<hbm>>
    %dma_wait3A_10 = arith.constant 196 : i32
    %dma_wait3A_11 = arith.constant 0 : i32
    %dma_wait3A_12 = tpu.memref_slice %arg4[%dma_wait3A_10, %dma_wait3A_11, %mul3A_2] : memref<200x64x4096xf32, #tpu.memory_space<hbm>> -> memref<2x64x128xf32, #tpu.memory_space<hbm>>
    tpu.wait_dma2 semaphore(%arg9 : memref<!tpu.dma_semaphore, #tpu.memory_space<semaphore_mem>>) src(%arg7 : memref<2x64x128xf32, #tpu.memory_space<vmem>>) dst(%dma_wait3A_12 : memref<2x64x128xf32, #tpu.memory_space<hbm>>)
    %dma_wait3A_13 = arith.constant 198 : i32
    %dma_wait3A_14 = arith.constant 0 : i32
    %dma_wait3A_15 = tpu.memref_slice %arg4[%dma_wait3A_13, %dma_wait3A_14, %mul3A_2] : memref<200x64x4096xf32, #tpu.memory_space<hbm>> -> memref<2x64x128xf32, #tpu.memory_space<hbm>>
    %dma_wait3A_16 = arith.constant 198 : i32
    %dma_wait3A_17 = arith.constant 0 : i32
    %dma_wait3A_18 = tpu.memref_slice %arg4[%dma_wait3A_16, %dma_wait3A_17, %mul3A_2] : memref<200x64x4096xf32, #tpu.memory_space<hbm>> -> memref<2x64x128xf32, #tpu.memory_space<hbm>>
    tpu.wait_dma2 semaphore(%arg10 : memref<!tpu.dma_semaphore, #tpu.memory_space<semaphore_mem>>) src(%arg8 : memref<2x64x128xf32, #tpu.memory_space<vmem>>) dst(%dma_wait3A_18 : memref<2x64x128xf32, #tpu.memory_space<hbm>>)
    return
  }
}

</mosaic_0001>

<sc_bundles>
// kernel: kernel.3.cloned.1.call-start
scs
__scs_entry_jumppad:
0x0: {  	(pc) =	sbr.rel $0x88, $3  }
0x1: {  	(tag) =	ssettag $0x0;
	lr =	simm.s32 $0x1  }
0x2: {  	[smem:$0x3F9F] =	sst lr;
	_ =	strace $0xD0000000  }
0x3: {  	_ = 	snop  }
0x4: {  	_ = 	snop  }
0x5: {  	_ = 	snop  }
0x6: {  	_ = 	snop  }
0x7: {  	_ = 	snop  }
__scs_overlays_trampoline_lowered:
0x8: {  	[smem:$0x3FAE] =	sst s0  }
0x9: {  	[smem:$0x3FAF] =	sst s1  }
0xa: {  	[smem:$0x3FB0] =	sst s2  }
0xb: {  	[smem:$0x3FB1] =	sst s3  }
0xc: {  	[smem:$0x3FB2] =	sst s4  }
0xd: {  	[smem:$0x3FB3] =	sst s5  }
0xe: {  	[smem:$0x3FB4] =	sst s6  }
0xf: {  	[smem:$0x3FB5] =	sst s7  }
0x10: {  	[smem:$0x3FB6] =	sst s8  }
0x11: {  	[smem:$0x3FB7] =	sst s9;
	s0 =	simm.s32 @!p0 $0x0  }
0x12: {  	s1 =	sld [smem:$0x3F9D];
	s0 =	simm.s32 @p0 $0x1  }
0x13: {  	[smem:$0x3FB8] =	sst s0;
	s0 =	simm.s32 @!p1 $0x0  }
0x14: {  	s2 =	sld [smem:$0x3F9C];
	s0 =	simm.s32 @p1 $0x1  }
0x15: {  	[smem:$0x3FB9] =	sst s0;
	s0 =	simm.s32 @!p2 $0x0  }
0x16: {  	s3 =	sld [smem:$0x3FDB];
	s0 =	simm.s32 @p2 $0x1  }
0x17: {  	s4 =	simm.s32 $0x1BF5;
	[smem:$0x3FBB] =	sst s0  }
0x18: {  	s0 =	sld [smem:$0x3F9E];
	_ =	swait.ge [sflag:s4], $0x0  }
0x19: {  	s7 =	sld [smem:$0x3F9F]  }
0x1a: {  	s8 =	sadd.s32 $0xFFFFE003, lr  }
0x1b: {  	s9 =	sadd.s32 $0xFFFFFEF7, lr;
	s5 =	simm.s32 $0xFFFFFFFF;
	p2 =	slt.u32 s8, $0xFFFFF086  }
0x1c: {  	p1 =	slt.u32 s9, $0xF7A;
	s5 =	simm.s32 @!p2 $0x0  }
0x1d: {  	s5 =	simm.s32 @p1 $0x1;
	p0 =	seq.s32 s7, s2  }
0x1e: {  	s7 =	smul.u32 @!p0 $0xF7A, s2;
	p2 =	seq.s32 @!p0 s5, $0x0  }
0x1f: {  	s9 =	smul.u32 $0xF7A, s1;
	s8 =	simm.s32 @!p0 $0x1BF5;
	p2 =	por !p2, p0  }
0x20: {  	[sflag:s8] =	ssyncset.s32 @!p0 $0xFFFFF086;
	s6 =	sadd.s32 @!p0 s3, s7;
	s7 =	simm.s32 @!p0 $0x108  }
0x21: {  	s3 =	sadd.s32 s3, s9;
	s6 =	sadd.s32 @!p0 $0x88, s6;
	s7 =	simm.s32 @p2 $0x1082  }
0x22: {  	[simem:s7], [sflag:s8] =	dma.local @!p0 [hbm:s6], $0xF7A  }
0x23: {  	s9 =	sor.u32 $0xD0000000, s2;
	s6 =	simm.s32 $0x108;
	_ =	swait.ge @!p0 [sflag:s8], $0x0  }
0x24: {  	s3 =	sadd.s32 $0x88, s3;
	s6 =	simm.s32 @!p1 $0x1082;
	[sflag:s4] =	ssyncset.s32 $0xFFFFF086  }
0x25: {  	[simem:s6], [sflag:s4] =	dma.local [hbm:s3], $0xF7A  }
0x26: {  	[smem:$0x3F9F] =	sst s1;
	(tag) =	ssettag s2;
	_ =	strace s9  }
0x27: {  	s1 =	sld [smem:$0x3FAF]  }
0x28: {  	s2 =	sld [smem:$0x3FB0]  }
0x29: {  	s4 =	sld [smem:$0x3FB2]  }
0x2a: {  	p0 =	seq.s32 s5, $0x0;
	s5 =	sld [smem:$0x3FB3]  }
0x2b: {  	s6 =	sld [smem:$0x3FB4]  }
0x2c: {  	s7 =	sld [smem:$0x3FB5]  }
0x2d: {  	s3 =	simm.s32 $0x108;
	s8 =	sld [smem:$0x3FB6]  }
0x2e: {  	s3 =	simm.s32 @!p0 $0x1082;
	s9 =	sld [smem:$0x3FB7]  }
0x2f: {  	lr =	sadd.s32 s0, s3;
	s0 =	sld [smem:$0x3FAE]  }
0x30: {  	s3 =	sld [smem:$0x3FB1]  }
0x31: {  	[smem:$0x3FBA] =	sst s10  }
0x32: {  	s10 =	sld [smem:$0x3FB8];
	_ =	sdelay $0x3  }
0x33: {  	p0 =	seq.s32 s10, $0x1;
	s10 =	sld [smem:$0x3FBA];
	_ =	sdelay $0x3  }
0x34: {  	[smem:$0x3FBA] =	sst s10  }
0x35: {  	s10 =	sld [smem:$0x3FB9];
	_ =	sdelay $0x3  }
0x36: {  	p1 =	seq.s32 s10, $0x1;
	s10 =	sld [smem:$0x3FBA];
	_ =	sdelay $0x3  }
0x37: {  	[smem:$0x3FBA] =	sst s10  }
0x38: {  	s10 =	sld [smem:$0x3FBB]  }
0x39: {  	_ = 	snop;
	(pc) =	sbr.ind lr, $3  }
0x3a: {  	_ = 	snop  }
0x3b: {  	_ = 	snop  }
0x3c: {  	p2 =	seq.s32 s10, $0x1;
	s10 =	sld [smem:$0x3FBA]  }
0x3d: {  	_ =	shalt  }
0x3e: {  	_ =	shalt  }
0x3f: {  	_ =	shalt  }
0x40: {  	_ =	shalt  }
0x41: {  	_ =	shalt  }
0x42: {  	_ =	shalt  }
0x43: {  	_ =	shalt  }
0x44: {  	_ =	shalt  }
0x45: {  	_ =	shalt  }
0x46: {  	_ =	shalt  }
0x47: {  	_ =	shalt  }
0x48: {  	_ =	shalt  }
0x49: {  	_ =	shalt  }
0x4a: {  	_ =	shalt  }
0x4b: {  	_ =	shalt  }
0x4c: {  	_ =	shalt  }
0x4d: {  	_ =	shalt  }
0x4e: {  	_ =	shalt  }
0x4f: {  	_ =	shalt  }
0x50: {  	_ =	shalt  }
0x51: {  	_ =	shalt  }
0x52: {  	_ =	shalt  }
0x53: {  	_ =	shalt  }
0x54: {  	_ =	shalt  }
0x55: {  	_ =	shalt  }
0x56: {  	_ =	shalt  }
0x57: {  	_ =	shalt  }
0x58: {  	_ =	shalt  }
0x59: {  	_ =	shalt  }
0x5a: {  	_ =	shalt  }
0x5b: {  	_ =	shalt  }
0x5c: {  	_ =	shalt  }
0x5d: {  	_ =	shalt  }
0x5e: {  	_ =	shalt  }
0x5f: {  	_ =	shalt  }
0x60: {  	_ =	shalt  }
0x61: {  	_ =	shalt  }
0x62: {  	_ =	shalt  }
0x63: {  	_ =	shalt  }
0x64: {  	_ =	shalt  }
0x65: {  	_ =	shalt  }
0x66: {  	_ =	shalt  }
0x67: {  	_ =	shalt  }
0x68: {  	_ =	shalt  }
0x69: {  	_ =	shalt  }
0x6a: {  	_ =	shalt  }
0x6b: {  	_ =	shalt  }
0x6c: {  	_ =	shalt  }
0x6d: {  	_ =	shalt  }
0x6e: {  	_ =	shalt  }
0x6f: {  	_ =	shalt  }
0x70: {  	_ =	shalt  }
0x71: {  	_ =	shalt  }
0x72: {  	_ =	shalt  }
0x73: {  	_ =	shalt  }
0x74: {  	_ =	shalt  }
0x75: {  	_ =	shalt  }
0x76: {  	_ =	shalt  }
0x77: {  	_ =	shalt  }
0x78: {  	_ =	shalt  }
0x79: {  	_ =	shalt  }
0x7a: {  	_ =	shalt  }
0x7b: {  	_ =	shalt  }
0x7c: {  	_ =	shalt  }
0x7d: {  	_ =	shalt  }
0x7e: {  	_ =	shalt  }
0x7f: {  	_ =	shalt  }
0x80: {  	_ =	shalt  }
0x81: {  	_ =	shalt  }
0x82: {  	_ =	shalt  }
0x83: {  	_ =	shalt  }
0x84: {  	_ =	shalt  }
0x85: {  	_ =	shalt  }
0x86: {  	_ =	shalt  }
0x87: {  	_ =	shalt  }
.Lfunc_end0:
.L_simem_size_0:
called_computation_lowered:
.L_overlay_start_0:
0x88: {  	s2 =	sld [smem:$0x3FD9]  }
0x89: {  	s3 =	sld [smem:$0x3FFE];
	_ =	sdelay $0x1  }
0x8a: {  	s1 =	srdreg.scid  }
0x8b: {  	s0 =	sand.u32 $0x1, s1  }
0x8c: {  	s17 =	sshll.u32 s0, $0xA;
	s2 =	sadd.s32 s3, s2  }
0x8d: {  	s2 =	sadd.s32 s2, s17  }
0x8e: {  	[smem:$0x3FC6] =	sst s2  }
0x8f: {  	_ = 	snop  }
0x90: {  	s2 =	sld [smem:$0x3FC9]  }
0x91: {  	s18 =	sld [smem:$0x3FD0];
	(tm) =	ssettm $0x1  }
0x92: {  	s4 =	sld [smem:$0x3FFB];
	_ =	sdelay $0x3  }
0x93: {  	_ =	strace s4  }
0x94: {  	s4 =	sld [smem:$0x3FFC];
	_ =	sdelay $0x3  }
0x95: {  	_ =	strace s4  }
0x96: {  	s4 =	sld [smem:$0x3FFD];
	_ =	sdelay $0x3  }
0x97: {  	_ =	strace s4  }
0x98: {  	_ =	strace $0x8FFFFFFF  }
0x99: {  	s19 =	sld [smem:$0x3FDB];
	_ =	sdelay $0x1  }
0x9a: {  	s5 =	simm.s32 $_scs_section_size  }
0x9b: {  	s6 =	simm.s32 $_size__tile_overlayer_lowered;
	s7 =	simm.s32 $_tile_overlayer_lowered  }
0x9c: {  	s22 =	simm.s32 $0x1BFF;
	s21 =	sshll.u32 s7, $0x1;
	s4 =	sadd.s32 s5, s19  }
0x9d: {  	s8 =	simm.s32 $0x0;
	s20 =	sshll.u32 s6, $0x1;
	s6 =	sadd.s32 s21, s4  }
0x9e: {  	[timem:s8], [sflag:s22] =	dma.local [hbm:s6], s20  }
0x9f: {  	_ =	swait.ge [sflag:s22], s20  }
0xa0: {  	s5 =	ssub.s32 $0x0, s20;
	[sflag:s22] =	ssyncset.done $0x0  }
0xa1: {  	[sflag:s22] =	ssyncadd.s32 s5;
	_ =	sdelay $0x1  }
0xa2: {  	s23 =	simm.s32 $0x1B8B  }
0xa3: {  	_ =	swait.ge [sflag:s23], $0x1  }
0xa4: {  	[sflag:s23] =	ssyncset.done $0x0  }
0xa5: {  	s25 =	simm.s32 $0x1B8E;
	s24 =	sld [smem:$0x3FFE];
	[sflag:s23] =	ssyncadd.s32 $0xFFFFFFFF  }
0xa6: {  	s26 =	simm.s32 $execute0_lowered;
	[smem:$0x3FD2] =	sst s25  }
0xa7: {  	s6 =	sshll.u32 s26, $0x1;
	_ =	strace $0x80000046;
	[dreg:$0x1] =	wrdreg $0xFFFFFFFF  }
0xa8: {  	s28 =	simm.s32 $_size_execute0_lowered;
	s4 =	sadd.s32 s4, s6;
	[dreg:$0x0] =	wrdreg $0x0  }
0xa9: {  	s6 =	sshll.u32 s28, $0x1;
	[dreg:$0x2] =	wrdreg s4  }
0xaa: {  	[dreg:$0x3] =	wrdreg s6  }
0xab: {  	[dreg:$0x4] =	wrdreg $0xC0  }
0xac: {  	_ =	task [dreg:s8], $0x5FFFF  }
0xad: {  	[dreg:$0x1] =	wrdreg $0xFFFFFFFF  }
0xae: {  	[dreg:$0x0] =	wrdreg $0x60  }
0xaf: {  	[dreg:$0x2] =	wrdreg s2  }
0xb0: {  	[dreg:$0x3] =	wrdreg s24  }
0xb1: {  	[dreg:$0x4] =	wrdreg s18  }
0xb2: {  	[dreg:$0x5] =	wrdreg $0x9  }
0xb3: {  	_ =	task.clear_ibuf [dreg:s8], $0x6FFFF;
	_ =	strace $0x90000046  }
0xb4: {  	s29 =	simm.s32 $0x9;
	_ =	strace $0x80000048  }
0xb5: {  	_ =	swait.ge [sflag:s29], $0x1  }
0xb6: {  	[sflag:s29] =	ssyncadd.s32 $0xFFFFFFFF  }
0xb7: {  	_ =	strace $0x90000048  }
0xb8: {  	_ =	sfence  }
0xb9: {  	s30 =	sld [smem:$0x0];
	_ =	sdelay $0x2  }
0xba: {  	s31 =	sshll.u32 s1, $0xD;
	s1 =	sshrl.u32 s1, $0x2  }
0xbb: {  	s3 =	sand.u32 $0x4000, s31;
	s1 =	sadd.s32 s1, s30  }
0xbc: {  	s0 =	sor.u32 s3, s0;
	s1 =	sshll.u32 s1, $0x11  }
0xbd: {  	s0 =	sor.u32 s1, s0  }
0xbe: {  	s0 =	sadd.s32 $0x8F2B, s0  }
0xbf: {  	[sflag:s0] =	ssyncadd.remote.s32 $0x1  }
0xc0: {  	_ =	sfence.sel $0xFFFF  }
0xc1: {  	[dreg:$0x0] =	wrdreg $0xFFFFFFFF;
	(pc) =	sbr.abs _section_cstart, $3  }
0xc2: {  	[dreg:$0x1] =	wrdreg $0xFFFFFFFF  }
0xc3: {  	_ =	task.clear_ibuf [dreg:s8], $0x2FFFF;
	_ =	strace $0x9FFFFFFF  }
0xc4: {  	(tm) =	ssettm $0x7FFFFFFF  }
0xc5: {  	_ =	shalt  }
tec
execute0_lowered:
.L_overlay_start_1:
0x0: {  	(tag) =	ssettag $0x1  }
0x1: {  	s0 =	rddreg [dreg:$0x0]  }
0x2: {  	s5 =	rddreg [dreg:$0x1]  }
0x3: {  	s2 =	rddreg [dreg:$0x2];
	s4 =	srdreg.scid  }
0x4: {  	s3 =	simm.s32 $0x0;
	s1 =	stileid.u32;
	s9 =	simm.s32 $0x400  }
0x5: {  	s10 =	simm.s32 $0x8000;
	s11 =	simm.s32 $0x11980;
	s12 =	simm.s32 $0x17D80  }
0x6: {  	s13 =	simm.s32 $0x1BD80;
	s14 =	simm.s32 $0x1;
	s15 =	simm.s32 $0x2  }
0x7: {  	s16 =	simm.s32 $0x0;
	s4 =	sand.u32 $0x1, s4;
	s7 =	sshll.u32 s1, $0xB  }
0x8: {  	[smem:$0x7FF] =	sst s3;
	s6 =	ssub.s32 $0x2, s4;
	s4 =	sshll.u32 s4, $0xA  }
0x9: {  	s5 =	sadd.s32 $0x400, s5;
	s8 =	sshrl.u32 s6, $0x1;
	s4 =	sor.u32 s4, s7  }
0xa: {  	_ =	strace $0x80000047;
	s30 =	ssub.s32 s6, s8;
	s31 =	sshrl.u32 s4, $0x3  }
0xb: {  	s8 =	simm.s32 $0x3;
	s6 =	sadd.s32 s0, s31;
	s7 =	smax.u32 s30, $0x1  }
.LBB2_1:
0xc: {  	[tilespmem:s3], [sflag:$0x3] =	stream.linear.gather [hbm4b:s5+s3], $0x11980, $0x38;
	[tilespmem:$0x1FD80] =	vst v63  }
0xd: {  	_ =	swait.ge [sflag:s8], $0x11980  }
0xe: {  	[sflag:s8] =	ssyncset.done $0x0  }
0xf: {  	[sflag:s8] =	ssyncadd.s32 $0xFFFEE680  }
0x10: {  	[tilespmem:s11], [sflag:$0x3] =	stream.strided.gather [hbm4b:s6+s9], $0x6400, s10, s9, $0x38;
	[tilespmem:$0x1FD80] =	vst v63  }
0x11: {  	_ =	swait.ge [sflag:s8], $0x6400  }
0x12: {  	[sflag:s8] =	ssyncset.done $0x0  }
0x13: {  	s17 =	simm.s32 $0x0;
	[sflag:s8] =	ssyncadd.s32 $0xFFFF9C00  }
.LBB2_2:
0x14: {  	p0 =	seq.s32 s17, $0x0  }
0x15: {  	s0 =	simm.s32 @!p0 $0x1  }
0x16: {  	_ =	swait.ge @!p0 [sflag:s0], $0x4000  }
0x17: {  	s18 =	sshll.u32 s17, $0x9;
	[sflag:s0] =	ssyncset.done @!p0 $0x0  }
0x18: {  	s19 =	sand.u32 $0x3FFFFE00, s18;
	[sflag:s0] =	ssyncadd.s32 @!p0 $0xFFFFC000  }
0x19: {  	v0 =	vld [tilespmem:s19+$0x11980];
	_ =	sdelay $0x4  }
0x1a: {  	v1 =	vmul.u32 $0x48, v0  }
0x1b: {  	s22 =	simm.s32 $0x1  }
0x1c: {  	s23 =	simm.s32 $0x3;
	v3 =	vadd.s32 s22, v1  }
0x1d: {  	s20 =	simm.s32 $0x2;
	v0 =	vld [tilespmem:s19+$0x11990];
	v4 =	vadd.s32 s23, v1  }
0x1e: {  	s24 =	simm.s32 $0x5;
	v5 =	vadd.s32 s20, v1  }
0x1f: {  	s25 =	simm.s32 $0x6;
	v6 =	vadd.s32 s24, v1  }
0x20: {  	s26 =	simm.s32 $0x7;
	v7 =	vadd.s32 s25, v1;
	v10 =	vld.idx.msk [tilespmem:v1+s3+$0x0], $0xffff  }
0x21: {  	s28 =	simm.s32 $0x0;
	v2 =	vor.u32 $0x4, v1;
	v11 =	vadd.s32 s26, v1;
	v3 =	vld.idx.msk [tilespmem:v3+s3+$0x0], $0xffff  }
0x22: {  	v8 =	vadd.s32 s28, v2;
	v0 =	vmul.u32 $0x48, v0;
	v4 =	vld.idx.msk [tilespmem:v4+s3+$0x0], $0xffff  }
0x23: {  	v5 =	vld.idx.msk [tilespmem:v5+s3+$0x0], $0xffff  }
0x24: {  	v9 =	vadd.s32 s23, v0;
	v12 =	vld.idx.msk [tilespmem:v6+s3+$0x0], $0xffff  }
0x25: {  	s23 =	simm.s32 $0x17E80;
	v7 =	vld.idx.msk [tilespmem:v7+s3+$0x0], $0xffff;
	v13 =	vadd.s32 s20, v0  }
0x26: {  	s21 =	simm.s32 $0x9;
	v6 =	vadd.s32 s22, v0;
	v11 =	vld.idx.msk [tilespmem:v11+s3+$0x0], $0xffff;
	[tilespmem:s23+$0xFFFFFF00] =	vst v10  }
0x27: {  	s22 =	simm.s32 $0xA;
	v8 =	vld.idx.msk [tilespmem:v8+s3+$0x0], $0xffff;
	[tilespmem:s23+$0x80] =	vst v4;
	v4 =	vadd.s32 s21, v1  }
0x28: {  	s20 =	simm.s32 $0x4;
	[tilespmem:s23+$0xFFFFFF80] =	vst v3;
	v3 =	vadd.s32 s22, v1;
	v16 =	vld.idx.msk [tilespmem:v0+s3+$0x0], $0xffff  }
0x29: {  	s1 =	simm.s32 $0xB;
	[tilespmem:s23+$0x0] =	vst v5;
	v5 =	vadd.s32 s20, v2;
	v9 =	vld.idx.msk [tilespmem:v9+s3+$0x0], $0xffff  }
0x2a: {  	v15 =	vld.idx.msk [tilespmem:v13+s3+$0x0], $0xffff;
	v13 =	vadd.s32 s1, v1  }
0x2b: {  	v10 =	vadd.s32 s26, v0;
	v18 =	vld.idx.msk [tilespmem:v6+s3+$0x0], $0xffff  }
0x2c: {  	v17 =	vadd.s32 s24, v0;
	s24 =	simm.s32 $0x18080;
	v6 =	vld.idx.msk [tilespmem:v4+s3+$0x0], $0xffff  }
0x2d: {  	v19 =	vadd.s32 s25, v0;
	[tilespmem:s24+$0x80] =	vst v11;
	v4 =	vld.idx.msk [tilespmem:v3+s3+$0x0], $0xffff;
	v3 =	vor.u32 $0x4, v0  }
0x2e: {  	s26 =	simm.s32 $0xD;
	[tilespmem:s24+$0xFFFFFF80] =	vst v12;
	v5 =	vld.idx.msk [tilespmem:v5+s3+$0x0], $0xffff;
	v14 =	vadd.s32 s28, v3  }
0x2f: {  	s25 =	sshll.u32 s17, $0x2;
	[tilespmem:s24+$0x0] =	vst v7;
	s28 =	simm.s32 $0xE;
	v12 =	vld.idx.msk [tilespmem:v13+s3+$0x0], $0xffff;
	v13 =	vadd.s32 s26, v1  }
0x30: {  	s18 =	sor.u32 $0x2, s25;
	s25 =	simm.s32 $0x8;
	[tilespmem:s23+$0x90] =	vst v9;
	v9 =	vld.idx.msk [tilespmem:v10+s3+$0x0], $0xffff;
	v11 =	vadd.s32 s28, v1  }
0x31: {  	[tilespmem:s24+$0xFFFFFF00] =	vst v8;
	v7 =	vld.idx.msk [tilespmem:v17+s3+$0x0], $0xffff;
	v10 =	vadd.s32 s25, v2  }
0x32: {  	s30 =	simm.s32 $0xC;
	s29 =	simm.s32 $0xF;
	s31 =	simm.s32 $0x10;
	v17 =	vadd.s32 s1, v0;
	v8 =	vld.idx.msk [tilespmem:v19+s3+$0x0], $0xffff;
	[tilespmem:s23+$0xFFFFFF90] =	vst v18  }
.LBB2_3:
0x33: {  	p1 =	slt.u32 s31, $0x3C;
	v18 =	vadd.s32 s29, v1;
	v19 =	vld.idx.msk [tilespmem:v14+s3+$0x0], $0xffff;
	[tilespmem:s23+$0x10] =	vst v15;
	v15 =	vmov v4  }
0x34: {  	v21 =	vadd.s32 s21, v0;
	s21 =	smov.u32 s26;
	v20 =	vld.idx.msk [tilespmem:v13+s3+$0x0], $0xffff;
	[tilespmem:s23+$0xFFFFFF10] =	vst v16;
	v16 =	vmov v5;
	s23 =	smov.u32 s24  }
0x35: {  	v22 =	vadd.s32 s22, v0;
	s22 =	smov.u32 s28;
	s24 =	sadd.s32 $0x200, s24;
	v4 =	vld.idx.msk [tilespmem:v11+s3+$0x0], $0xffff;
	[tilespmem:s23+$0x90] =	vst v9  }
.Ltmp0:
0x36: {  	s26 =	sadd.s32 $0x1, s31;
	v14 =	vadd.s32 s20, v3;
	s20 =	smov.u32 s25;
	v5 =	vld.idx.msk [tilespmem:v10+s3+$0x0], $0xffff;
	[tilespmem:s24+$0x80] =	vst v12;
	(pc) =	sbr.rel @p1 .LBB2_3-.Ltmp0, $4  }
0x37: {  	s28 =	sadd.s32 $0x2, s31;
	s25 =	smov.u32 s30;
	s30 =	smov.u32 s31;
	v13 =	vadd.s32 s26, v1;
	[tilespmem:s24+$0xFFFFFF80] =	vst v6;
	v9 =	vld.idx.msk [tilespmem:v17+s3+$0x0], $0xffff;
	v6 =	vmov v7  }
0x38: {  	v11 =	vadd.s32 s28, v1;
	v12 =	vld.idx.msk [tilespmem:v18+s3+$0x0], $0xffff;
	[tilespmem:s24+$0x0] =	vst v15;
	v15 =	vmov v8  }
0x39: {  	v10 =	vadd.s32 s25, v2;
	[tilespmem:s24+$0xFFFFFF00] =	vst v16;
	v7 =	vld.idx.msk [tilespmem:v21+s3+$0x0], $0xffff;
	v16 =	vmov v19  }
0x3a: {  	s31 =	sadd.s32 $0x4, s31;
	v17 =	vadd.s32 s29, v0;
	s29 =	sadd.s32 $0x3, s30;
	v8 =	vld.idx.msk [tilespmem:v22+s3+$0x0], $0xffff;
	[tilespmem:s23+$0xFFFFFF90] =	vst v6;
	v6 =	vmov v20  }
0x3b: {  	_ = 	snop  }
0x3c: {  	[tilespmem:s23+$0x10] =	vst v15  }
0x3d: {  	v1 =	vadd.s32 s29, v1;
	[tilespmem:s23+$0xFFFFFF10] =	vst v16;
	s0 =	sadd.s32 $0x200, s24  }
0x3e: {  	[tilespmem:s0+$0xFFFFFF80] =	vst v6  }
0x3f: {  	v2 =	vld.idx.msk [tilespmem:v14+s3+$0x0], $0xffff;
	[tilespmem:s0+$0x0] =	vst v4  }
0x40: {  	[tilespmem:s0+$0xFFFFFF00] =	vst v5;
	v5 =	vld.idx.msk [tilespmem:v13+s3+$0x0], $0xffff  }
0x41: {  	v6 =	vadd.s32 s21, v0;
	[tilespmem:s24+$0xFFFFFF90] =	vst v7;
	v7 =	vld.idx.msk [tilespmem:v11+s3+$0x0], $0xffff  }
0x42: {  	v4 =	vadd.s32 s22, v0;
	[tilespmem:s0+$0x80] =	vst v12;
	v1 =	vld.idx.msk [tilespmem:v1+s3+$0x0], $0xffff  }
0x43: {  	[tilespmem:s24+$0x10] =	vst v8;
	v8 =	vld.idx.msk [tilespmem:v10+s3+$0x0], $0xffff;
	v10 =	vadd.s32 s26, v0  }
0x44: {  	[tilespmem:s24+$0x90] =	vst v9;
	v9 =	vld.idx.msk [tilespmem:v17+s3+$0x0], $0xffff;
	v11 =	vadd.s32 s29, v0;
	v0 =	vadd.s32 s28, v0  }
0x45: {  	v12 =	vadd.s32 s20, v3;
	s26 =	sadd.s32 $0x200, s0;
	[tilespmem:s24+$0xFFFFFF10] =	vst v2  }
0x46: {  	v2 =	vld.idx.msk [tilespmem:v6+s3+$0x0], $0xffff;
	[tilespmem:s26+$0xFFFFFF80] =	vst v5  }
0x47: {  	v4 =	vld.idx.msk [tilespmem:v4+s3+$0x0], $0xffff;
	[tilespmem:s26+$0x80] =	vst v1;
	v1 =	vadd.s32 s25, v3  }
0x48: {  	[tilespmem:s26+$0x0] =	vst v7;
	v6 =	vld.idx.msk [tilespmem:v10+s3+$0x0], $0xffff  }
0x49: {  	[tilespmem:s0+$0x90] =	vst v9;
	v0 =	vld.idx.msk [tilespmem:v0+s3+$0x0], $0xffff  }
0x4a: {  	[tilespmem:s26+$0xFFFFFF00] =	vst v8;
	v3 =	vld.idx.msk [tilespmem:v12+s3+$0x0], $0xffff  }
0x4b: {  	v5 =	vld.idx.msk [tilespmem:v11+s3+$0x0], $0xffff;
	[tilespmem:s0+$0xFFFFFF90] =	vst v2  }
0x4c: {  	[tilespmem:s0+$0x10] =	vst v4;
	v1 =	vld.idx.msk [tilespmem:v1+s3+$0x0], $0xffff  }
0x4d: {  	[tilespmem:s26+$0xFFFFFF90] =	vst v6  }
0x4e: {  	[tilespmem:s26+$0x10] =	vst v0  }
0x4f: {  	[tilespmem:s0+$0xFFFFFF10] =	vst v3  }
0x50: {  	[tilespmem:s26+$0x90] =	vst v5  }
0x51: {  	[tilespmem:s26+$0xFFFFFF10] =	vst v1  }
0x52: {  	v0 =	vld [tilespmem:s19+$0x119A0];
	_ =	sdelay $0x4  }
0x53: {  	v1 =	vmul.u32 $0x48, v0  }
0x54: {  	s1 =	simm.s32 $0x1  }
0x55: {  	s21 =	simm.s32 $0x3;
	v3 =	vadd.s32 s1, v1  }
0x56: {  	s22 =	simm.s32 $0x2;
	v0 =	vld [tilespmem:s19+$0x119B0];
	v4 =	vadd.s32 s21, v1  }
0x57: {  	s24 =	simm.s32 $0x5;
	v5 =	vadd.s32 s22, v1  }
0x58: {  	s25 =	simm.s32 $0x6;
	v6 =	vadd.s32 s24, v1  }
0x59: {  	s26 =	simm.s32 $0x7;
	v7 =	vadd.s32 s25, v1;
	v10 =	vld.idx.msk [tilespmem:v1+s3+$0x0], $0xffff  }
0x5a: {  	s28 =	simm.s32 $0x0;
	v2 =	vor.u32 $0x4, v1;
	v11 =	vadd.s32 s26, v1;
	v3 =	vld.idx.msk [tilespmem:v3+s3+$0x0], $0xffff  }
0x5b: {  	v8 =	vadd.s32 s28, v2;
	v0 =	vmul.u32 $0x48, v0;
	v4 =	vld.idx.msk [tilespmem:v4+s3+$0x0], $0xffff  }
0x5c: {  	v5 =	vld.idx.msk [tilespmem:v5+s3+$0x0], $0xffff  }
0x5d: {  	v9 =	vadd.s32 s21, v0;
	v12 =	vld.idx.msk [tilespmem:v6+s3+$0x0], $0xffff  }
0x5e: {  	s23 =	simm.s32 $0x17EA0;
	v6 =	vadd.s32 s1, v0;
	v7 =	vld.idx.msk [tilespmem:v7+s3+$0x0], $0xffff  }
0x5f: {  	v13 =	vadd.s32 s22, v0;
	s21 =	simm.s32 $0x9;
	v11 =	vld.idx.msk [tilespmem:v11+s3+$0x0], $0xffff;
	[tilespmem:s23+$0xFFFFFF00] =	vst v10  }
0x60: {  	s22 =	simm.s32 $0xA;
	v8 =	vld.idx.msk [tilespmem:v8+s3+$0x0], $0xffff;
	[tilespmem:s23+$0x80] =	vst v4;
	v4 =	vadd.s32 s21, v1  }
0x61: {  	[tilespmem:s23+$0xFFFFFF80] =	vst v3;
	v3 =	vadd.s32 s22, v1;
	v16 =	vld.idx.msk [tilespmem:v0+s3+$0x0], $0xffff  }
0x62: {  	s20 =	simm.s32 $0x4;
	v17 =	vadd.s32 s24, v0;
	v9 =	vld.idx.msk [tilespmem:v9+s3+$0x0], $0xffff  }
0x63: {  	[tilespmem:s23+$0x0] =	vst v5;
	v5 =	vadd.s32 s20, v2;
	v18 =	vld.idx.msk [tilespmem:v6+s3+$0x0], $0xffff  }
0x64: {  	s1 =	simm.s32 $0xB;
	v10 =	vadd.s32 s26, v0;
	v15 =	vld.idx.msk [tilespmem:v13+s3+$0x0], $0xffff  }
0x65: {  	s24 =	simm.s32 $0x180A0;
	v13 =	vadd.s32 s1, v1;
	v6 =	vld.idx.msk [tilespmem:v4+s3+$0x0], $0xffff  }
0x66: {  	v19 =	vadd.s32 s25, v0;
	[tilespmem:s24+$0xFFFFFF80] =	vst v12;
	v4 =	vld.idx.msk [tilespmem:v3+s3+$0x0], $0xffff;
	v3 =	vor.u32 $0x4, v0  }
0x67: {  	s26 =	simm.s32 $0xD;
	[tilespmem:s24+$0x0] =	vst v7;
	v7 =	vld.idx.msk [tilespmem:v17+s3+$0x0], $0xffff;
	v14 =	vadd.s32 s28, v3  }
0x68: {  	[tilespmem:s24+$0x80] =	vst v11;
	v12 =	vadd.s32 s26, v1;
	v5 =	vld.idx.msk [tilespmem:v5+s3+$0x0], $0xffff;
	s28 =	simm.s32 $0xE  }
0x69: {  	s25 =	simm.s32 $0x8;
	[tilespmem:s23+$0x90] =	vst v9;
	v9 =	vld.idx.msk [tilespmem:v10+s3+$0x0], $0xffff;
	v11 =	vadd.s32 s28, v1  }
0x6a: {  	[tilespmem:s24+$0xFFFFFF00] =	vst v8;
	v13 =	vld.idx.msk [tilespmem:v13+s3+$0x0], $0xffff;
	v10 =	vadd.s32 s25, v2  }
0x6b: {  	s30 =	simm.s32 $0xC;
	s31 =	simm.s32 $0x10;
	s29 =	simm.s32 $0xF;
	v17 =	vadd.s32 s1, v0;
	v8 =	vld.idx.msk [tilespmem:v19+s3+$0x0], $0xffff;
	[tilespmem:s23+$0xFFFFFF90] =	vst v18  }
.LBB2_5:
0x6c: {  	p1 =	slt.u32 s31, $0x3C;
	v18 =	vadd.s32 s29, v1;
	v19 =	vld.idx.msk [tilespmem:v14+s3+$0x0], $0xffff;
	[tilespmem:s23+$0x10] =	vst v15;
	v15 =	vmov v4  }
0x6d: {  	v21 =	vadd.s32 s21, v0;
	s21 =	smov.u32 s26;
	v20 =	vld.idx.msk [tilespmem:v12+s3+$0x0], $0xffff;
	[tilespmem:s23+$0xFFFFFF10] =	vst v16;
	v16 =	vmov v5;
	s23 =	smov.u32 s24  }
0x6e: {  	v22 =	vadd.s32 s22, v0;
	s22 =	smov.u32 s28;
	s24 =	sadd.s32 $0x200, s24;
	v4 =	vld.idx.msk [tilespmem:v11+s3+$0x0], $0xffff;
	[tilespmem:s23+$0x90] =	vst v9  }
.Ltmp1:
0x6f: {  	s26 =	sadd.s32 $0x1, s31;
	v14 =	vadd.s32 s20, v3;
	s20 =	smov.u32 s25;
	v5 =	vld.idx.msk [tilespmem:v10+s3+$0x0], $0xffff;
	[tilespmem:s24+$0x80] =	vst v13;
	(pc) =	sbr.rel @p1 .LBB2_5-.Ltmp1, $4  }
0x70: {  	s28 =	sadd.s32 $0x2, s31;
	s25 =	smov.u32 s30;
	s30 =	smov.u32 s31;
	v12 =	vadd.s32 s26, v1;
	[tilespmem:s24+$0xFFFFFF80] =	vst v6;
	v9 =	vld.idx.msk [tilespmem:v17+s3+$0x0], $0xffff;
	v6 =	vmov v7  }
0x71: {  	v11 =	vadd.s32 s28, v1;
	v13 =	vld.idx.msk [tilespmem:v18+s3+$0x0], $0xffff;
	[tilespmem:s24+$0x0] =	vst v15;
	v15 =	vmov v8  }
0x72: {  	v10 =	vadd.s32 s25, v2;
	[tilespmem:s24+$0xFFFFFF00] =	vst v16;
	v7 =	vld.idx.msk [tilespmem:v21+s3+$0x0], $0xffff;
	v16 =	vmov v19  }
0x73: {  	s31 =	sadd.s32 $0x4, s31;
	v17 =	vadd.s32 s29, v0;
	s29 =	sadd.s32 $0x3, s30;
	v8 =	vld.idx.msk [tilespmem:v22+s3+$0x0], $0xffff;
	[tilespmem:s23+$0xFFFFFF90] =	vst v6;
	v6 =	vmov v20  }
0x74: {  	_ = 	snop  }
0x75: {  	[tilespmem:s23+$0x10] =	vst v15  }
0x76: {  	v1 =	vadd.s32 s29, v1;
	[tilespmem:s23+$0xFFFFFF10] =	vst v16;
	s0 =	sadd.s32 $0x200, s24  }
0x77: {  	[tilespmem:s0+$0xFFFFFF80] =	vst v6  }
0x78: {  	v2 =	vld.idx.msk [tilespmem:v14+s3+$0x0], $0xffff;
	[tilespmem:s0+$0x0] =	vst v4  }
0x79: {  	[tilespmem:s0+$0xFFFFFF00] =	vst v5;
	v5 =	vld.idx.msk [tilespmem:v12+s3+$0x0], $0xffff  }
0x7a: {  	v6 =	vadd.s32 s21, v0;
	[tilespmem:s24+$0xFFFFFF90] =	vst v7;
	v7 =	vld.idx.msk [tilespmem:v11+s3+$0x0], $0xffff  }
0x7b: {  	v4 =	vadd.s32 s22, v0;
	[tilespmem:s0+$0x80] =	vst v13;
	v1 =	vld.idx.msk [tilespmem:v1+s3+$0x0], $0xffff  }
0x7c: {  	[tilespmem:s24+$0x10] =	vst v8;
	v8 =	vld.idx.msk [tilespmem:v10+s3+$0x0], $0xffff;
	v10 =	vadd.s32 s26, v0  }
0x7d: {  	[tilespmem:s24+$0x90] =	vst v9;
	v9 =	vld.idx.msk [tilespmem:v17+s3+$0x0], $0xffff;
	v11 =	vadd.s32 s29, v0;
	v0 =	vadd.s32 s28, v0  }
0x7e: {  	v12 =	vadd.s32 s20, v3;
	s26 =	sadd.s32 $0x200, s0;
	[tilespmem:s24+$0xFFFFFF10] =	vst v2  }
0x7f: {  	v2 =	vld.idx.msk [tilespmem:v6+s3+$0x0], $0xffff;
	[tilespmem:s26+$0xFFFFFF80] =	vst v5  }
0x80: {  	v4 =	vld.idx.msk [tilespmem:v4+s3+$0x0], $0xffff;
	[tilespmem:s26+$0x80] =	vst v1;
	v1 =	vadd.s32 s25, v3  }
0x81: {  	[tilespmem:s26+$0x0] =	vst v7;
	v6 =	vld.idx.msk [tilespmem:v10+s3+$0x0], $0xffff  }
0x82: {  	[tilespmem:s0+$0x90] =	vst v9;
	v0 =	vld.idx.msk [tilespmem:v0+s3+$0x0], $0xffff  }
0x83: {  	[tilespmem:s26+$0xFFFFFF00] =	vst v8;
	v3 =	vld.idx.msk [tilespmem:v12+s3+$0x0], $0xffff  }
0x84: {  	v5 =	vld.idx.msk [tilespmem:v11+s3+$0x0], $0xffff;
	[tilespmem:s0+$0xFFFFFF90] =	vst v2  }
0x85: {  	[tilespmem:s0+$0x10] =	vst v4;
	v1 =	vld.idx.msk [tilespmem:v1+s3+$0x0], $0xffff  }
0x86: {  	[tilespmem:s26+$0xFFFFFF90] =	vst v6  }
0x87: {  	[tilespmem:s26+$0x10] =	vst v0  }
0x88: {  	[tilespmem:s0+$0xFFFFFF10] =	vst v3  }
0x89: {  	[tilespmem:s26+$0x90] =	vst v5  }
0x8a: {  	[tilespmem:s26+$0xFFFFFF10] =	vst v1  }
0x8b: {  	v0 =	vld [tilespmem:s19+$0x119C0];
	_ =	sdelay $0x4  }
0x8c: {  	v1 =	vmul.u32 $0x48, v0  }
0x8d: {  	s1 =	simm.s32 $0x1  }
0x8e: {  	s21 =	simm.s32 $0x3;
	v3 =	vadd.s32 s1, v1  }
0x8f: {  	s22 =	simm.s32 $0x2;
	v0 =	vld [tilespmem:s19+$0x119D0];
	v4 =	vadd.s32 s21, v1  }
0x90: {  	s24 =	simm.s32 $0x5;
	v5 =	vadd.s32 s22, v1  }
0x91: {  	s25 =	simm.s32 $0x6;
	v6 =	vadd.s32 s24, v1  }
0x92: {  	s26 =	simm.s32 $0x7;
	v7 =	vadd.s32 s25, v1;
	v10 =	vld.idx.msk [tilespmem:v1+s3+$0x0], $0xffff  }
0x93: {  	s28 =	simm.s32 $0x0;
	v2 =	vor.u32 $0x4, v1;
	v11 =	vadd.s32 s26, v1;
	v3 =	vld.idx.msk [tilespmem:v3+s3+$0x0], $0xffff  }
0x94: {  	v8 =	vadd.s32 s28, v2;
	v0 =	vmul.u32 $0x48, v0;
	v4 =	vld.idx.msk [tilespmem:v4+s3+$0x0], $0xffff  }
0x95: {  	v5 =	vld.idx.msk [tilespmem:v5+s3+$0x0], $0xffff  }
0x96: {  	v9 =	vadd.s32 s21, v0;
	v12 =	vld.idx.msk [tilespmem:v6+s3+$0x0], $0xffff  }
0x97: {  	s23 =	simm.s32 $0x17EC0;
	v6 =	vadd.s32 s1, v0;
	v7 =	vld.idx.msk [tilespmem:v7+s3+$0x0], $0xffff  }
0x98: {  	v13 =	vadd.s32 s22, v0;
	s21 =	simm.s32 $0x9;
	v11 =	vld.idx.msk [tilespmem:v11+s3+$0x0], $0xffff;
	[tilespmem:s23+$0xFFFFFF00] =	vst v10  }
0x99: {  	s22 =	simm.s32 $0xA;
	v8 =	vld.idx.msk [tilespmem:v8+s3+$0x0], $0xffff;
	[tilespmem:s23+$0x80] =	vst v4;
	v4 =	vadd.s32 s21, v1  }
0x9a: {  	[tilespmem:s23+$0xFFFFFF80] =	vst v3;
	v3 =	vadd.s32 s22, v1;
	v16 =	vld.idx.msk [tilespmem:v0+s3+$0x0], $0xffff  }
0x9b: {  	s20 =	simm.s32 $0x4;
	v17 =	vadd.s32 s24, v0;
	v9 =	vld.idx.msk [tilespmem:v9+s3+$0x0], $0xffff  }
0x9c: {  	[tilespmem:s23+$0x0] =	vst v5;
	v5 =	vadd.s32 s20, v2;
	v18 =	vld.idx.msk [tilespmem:v6+s3+$0x0], $0xffff  }
0x9d: {  	s1 =	simm.s32 $0xB;
	v10 =	vadd.s32 s26, v0;
	v15 =	vld.idx.msk [tilespmem:v13+s3+$0x0], $0xffff  }
0x9e: {  	s24 =	simm.s32 $0x180C0;
	v13 =	vadd.s32 s1, v1;
	v6 =	vld.idx.msk [tilespmem:v4+s3+$0x0], $0xffff  }
0x9f: {  	v19 =	vadd.s32 s25, v0;
	[tilespmem:s24+$0xFFFFFF80] =	vst v12;
	v4 =	vld.idx.msk [tilespmem:v3+s3+$0x0], $0xffff;
	v3 =	vor.u32 $0x4, v0  }
0xa0: {  	s26 =	simm.s32 $0xD;
	[tilespmem:s24+$0x0] =	vst v7;
	v7 =	vld.idx.msk [tilespmem:v17+s3+$0x0], $0xffff;
	v14 =	vadd.s32 s28, v3  }
0xa1: {  	[tilespmem:s24+$0x80] =	vst v11;
	v12 =	vadd.s32 s26, v1;
	v5 =	vld.idx.msk [tilespmem:v5+s3+$0x0], $0xffff;
	s28 =	simm.s32 $0xE  }
0xa2: {  	s25 =	simm.s32 $0x8;
	[tilespmem:s23+$0x90] =	vst v9;
	v9 =	vld.idx.msk [tilespmem:v10+s3+$0x0], $0xffff;
	v11 =	vadd.s32 s28, v1  }
0xa3: {  	[tilespmem:s24+$0xFFFFFF00] =	vst v8;
	v13 =	vld.idx.msk [tilespmem:v13+s3+$0x0], $0xffff;
	v10 =	vadd.s32 s25, v2  }
0xa4: {  	s30 =	simm.s32 $0xC;
	s31 =	simm.s32 $0x10;
	s29 =	simm.s32 $0xF;
	v17 =	vadd.s32 s1, v0;
	v8 =	vld.idx.msk [tilespmem:v19+s3+$0x0], $0xffff;
	[tilespmem:s23+$0xFFFFFF90] =	vst v18  }
.LBB2_7:
0xa5: {  	p1 =	slt.u32 s31, $0x3C;
	v18 =	vadd.s32 s29, v1;
	v19 =	vld.idx.msk [tilespmem:v14+s3+$0x0], $0xffff;
	[tilespmem:s23+$0x10] =	vst v15;
	v15 =	vmov v4  }
0xa6: {  	v21 =	vadd.s32 s21, v0;
	s21 =	smov.u32 s26;
	v20 =	vld.idx.msk [tilespmem:v12+s3+$0x0], $0xffff;
	[tilespmem:s23+$0xFFFFFF10] =	vst v16;
	v16 =	vmov v5;
	s23 =	smov.u32 s24  }
0xa7: {  	v22 =	vadd.s32 s22, v0;
	s22 =	smov.u32 s28;
	s24 =	sadd.s32 $0x200, s24;
	v4 =	vld.idx.msk [tilespmem:v11+s3+$0x0], $0xffff;
	[tilespmem:s23+$0x90] =	vst v9  }
.Ltmp2:
0xa8: {  	s26 =	sadd.s32 $0x1, s31;
	v14 =	vadd.s32 s20, v3;
	s20 =	smov.u32 s25;
	v5 =	vld.idx.msk [tilespmem:v10+s3+$0x0], $0xffff;
	[tilespmem:s24+$0x80] =	vst v13;
	(pc) =	sbr.rel @p1 .LBB2_7-.Ltmp2, $4  }
0xa9: {  	s28 =	sadd.s32 $0x2, s31;
	s25 =	smov.u32 s30;
	s30 =	smov.u32 s31;
	v12 =	vadd.s32 s26, v1;
	[tilespmem:s24+$0xFFFFFF80] =	vst v6;
	v9 =	vld.idx.msk [tilespmem:v17+s3+$0x0], $0xffff;
	v6 =	vmov v7  }
0xaa: {  	v11 =	vadd.s32 s28, v1;
	v13 =	vld.idx.msk [tilespmem:v18+s3+$0x0], $0xffff;
	[tilespmem:s24+$0x0] =	vst v15;
	v15 =	vmov v8  }
0xab: {  	v10 =	vadd.s32 s25, v2;
	[tilespmem:s24+$0xFFFFFF00] =	vst v16;
	v7 =	vld.idx.msk [tilespmem:v21+s3+$0x0], $0xffff;
	v16 =	vmov v19  }
0xac: {  	s31 =	sadd.s32 $0x4, s31;
	v17 =	vadd.s32 s29, v0;
	s29 =	sadd.s32 $0x3, s30;
	v8 =	vld.idx.msk [tilespmem:v22+s3+$0x0], $0xffff;
	[tilespmem:s23+$0xFFFFFF90] =	vst v6;
	v6 =	vmov v20  }
0xad: {  	_ = 	snop  }
0xae: {  	[tilespmem:s23+$0x10] =	vst v15  }
0xaf: {  	v1 =	vadd.s32 s29, v1;
	[tilespmem:s23+$0xFFFFFF10] =	vst v16;
	s0 =	sadd.s32 $0x200, s24  }
0xb0: {  	[tilespmem:s0+$0xFFFFFF80] =	vst v6  }
0xb1: {  	v2 =	vld.idx.msk [tilespmem:v14+s3+$0x0], $0xffff;
	[tilespmem:s0+$0x0] =	vst v4  }
0xb2: {  	[tilespmem:s0+$0xFFFFFF00] =	vst v5;
	v5 =	vld.idx.msk [tilespmem:v12+s3+$0x0], $0xffff  }
0xb3: {  	v6 =	vadd.s32 s21, v0;
	[tilespmem:s24+$0xFFFFFF90] =	vst v7;
	v7 =	vld.idx.msk [tilespmem:v11+s3+$0x0], $0xffff  }
0xb4: {  	v4 =	vadd.s32 s22, v0;
	[tilespmem:s0+$0x80] =	vst v13;
	v1 =	vld.idx.msk [tilespmem:v1+s3+$0x0], $0xffff  }
0xb5: {  	[tilespmem:s24+$0x10] =	vst v8;
	v8 =	vld.idx.msk [tilespmem:v10+s3+$0x0], $0xffff;
	v10 =	vadd.s32 s26, v0  }
0xb6: {  	[tilespmem:s24+$0x90] =	vst v9;
	v9 =	vld.idx.msk [tilespmem:v17+s3+$0x0], $0xffff;
	v11 =	vadd.s32 s29, v0;
	v0 =	vadd.s32 s28, v0  }
0xb7: {  	v12 =	vadd.s32 s20, v3;
	s26 =	sadd.s32 $0x200, s0;
	[tilespmem:s24+$0xFFFFFF10] =	vst v2  }
0xb8: {  	v2 =	vld.idx.msk [tilespmem:v6+s3+$0x0], $0xffff;
	[tilespmem:s26+$0xFFFFFF80] =	vst v5  }
0xb9: {  	v4 =	vld.idx.msk [tilespmem:v4+s3+$0x0], $0xffff;
	[tilespmem:s26+$0x80] =	vst v1;
	v1 =	vadd.s32 s25, v3  }
0xba: {  	[tilespmem:s26+$0x0] =	vst v7;
	v6 =	vld.idx.msk [tilespmem:v10+s3+$0x0], $0xffff  }
0xbb: {  	[tilespmem:s0+$0x90] =	vst v9;
	v0 =	vld.idx.msk [tilespmem:v0+s3+$0x0], $0xffff  }
0xbc: {  	[tilespmem:s26+$0xFFFFFF00] =	vst v8;
	v3 =	vld.idx.msk [tilespmem:v12+s3+$0x0], $0xffff  }
0xbd: {  	v5 =	vld.idx.msk [tilespmem:v11+s3+$0x0], $0xffff;
	[tilespmem:s0+$0xFFFFFF90] =	vst v2  }
0xbe: {  	[tilespmem:s0+$0x10] =	vst v4;
	v1 =	vld.idx.msk [tilespmem:v1+s3+$0x0], $0xffff  }
0xbf: {  	[tilespmem:s26+$0xFFFFFF90] =	vst v6  }
0xc0: {  	[tilespmem:s26+$0x10] =	vst v0  }
0xc1: {  	[tilespmem:s0+$0xFFFFFF10] =	vst v3  }
0xc2: {  	[tilespmem:s26+$0x90] =	vst v5  }
0xc3: {  	[tilespmem:s26+$0xFFFFFF10] =	vst v1  }
0xc4: {  	v0 =	vld [tilespmem:s19+$0x119E0];
	_ =	sdelay $0x4  }
0xc5: {  	v1 =	vmul.u32 $0x48, v0  }
0xc6: {  	s1 =	simm.s32 $0x1  }
0xc7: {  	s21 =	simm.s32 $0x3;
	v3 =	vadd.s32 s1, v1  }
0xc8: {  	s22 =	simm.s32 $0x2;
	v0 =	vld [tilespmem:s19+$0x119F0];
	v4 =	vadd.s32 s21, v1  }
0xc9: {  	s24 =	simm.s32 $0x5;
	v5 =	vadd.s32 s22, v1  }
0xca: {  	s25 =	simm.s32 $0x6;
	v6 =	vadd.s32 s24, v1  }
0xcb: {  	s26 =	simm.s32 $0x7;
	v7 =	vadd.s32 s25, v1;
	v10 =	vld.idx.msk [tilespmem:v1+s3+$0x0], $0xffff  }
0xcc: {  	s28 =	simm.s32 $0x0;
	v2 =	vor.u32 $0x4, v1;
	v11 =	vadd.s32 s26, v1;
	v3 =	vld.idx.msk [tilespmem:v3+s3+$0x0], $0xffff  }
0xcd: {  	v8 =	vadd.s32 s28, v2;
	v0 =	vmul.u32 $0x48, v0;
	v4 =	vld.idx.msk [tilespmem:v4+s3+$0x0], $0xffff  }
0xce: {  	v5 =	vld.idx.msk [tilespmem:v5+s3+$0x0], $0xffff  }
0xcf: {  	v9 =	vadd.s32 s21, v0;
	v12 =	vld.idx.msk [tilespmem:v6+s3+$0x0], $0xffff  }
0xd0: {  	s23 =	simm.s32 $0x17EE0;
	v6 =	vadd.s32 s1, v0;
	v7 =	vld.idx.msk [tilespmem:v7+s3+$0x0], $0xffff  }
0xd1: {  	v13 =	vadd.s32 s22, v0;
	s21 =	simm.s32 $0x9;
	v11 =	vld.idx.msk [tilespmem:v11+s3+$0x0], $0xffff;
	[tilespmem:s23+$0xFFFFFF00] =	vst v10  }
0xd2: {  	s22 =	simm.s32 $0xA;
	v8 =	vld.idx.msk [tilespmem:v8+s3+$0x0], $0xffff;
	[tilespmem:s23+$0x80] =	vst v4;
	v4 =	vadd.s32 s21, v1  }
0xd3: {  	[tilespmem:s23+$0xFFFFFF80] =	vst v3;
	v3 =	vadd.s32 s22, v1;
	v16 =	vld.idx.msk [tilespmem:v0+s3+$0x0], $0xffff  }
0xd4: {  	s20 =	simm.s32 $0x4;
	v17 =	vadd.s32 s24, v0;
	v9 =	vld.idx.msk [tilespmem:v9+s3+$0x0], $0xffff  }
0xd5: {  	[tilespmem:s23+$0x0] =	vst v5;
	v5 =	vadd.s32 s20, v2;
	v18 =	vld.idx.msk [tilespmem:v6+s3+$0x0], $0xffff  }
0xd6: {  	s1 =	simm.s32 $0xB;
	v10 =	vadd.s32 s26, v0;
	v15 =	vld.idx.msk [tilespmem:v13+s3+$0x0], $0xffff  }
0xd7: {  	s24 =	simm.s32 $0x180E0;
	v13 =	vadd.s32 s1, v1;
	v6 =	vld.idx.msk [tilespmem:v4+s3+$0x0], $0xffff  }
0xd8: {  	v19 =	vadd.s32 s25, v0;
	[tilespmem:s24+$0xFFFFFF80] =	vst v12;
	v4 =	vld.idx.msk [tilespmem:v3+s3+$0x0], $0xffff;
	v3 =	vor.u32 $0x4, v0  }
0xd9: {  	s26 =	simm.s32 $0xD;
	[tilespmem:s24+$0x0] =	vst v7;
	v7 =	vld.idx.msk [tilespmem:v17+s3+$0x0], $0xffff;
	v14 =	vadd.s32 s28, v3  }
0xda: {  	[tilespmem:s24+$0x80] =	vst v11;
	v12 =	vadd.s32 s26, v1;
	v5 =	vld.idx.msk [tilespmem:v5+s3+$0x0], $0xffff;
	s28 =	simm.s32 $0xE  }
0xdb: {  	s25 =	simm.s32 $0x8;
	[tilespmem:s23+$0x90] =	vst v9;
	v9 =	vld.idx.msk [tilespmem:v10+s3+$0x0], $0xffff;
	v11 =	vadd.s32 s28, v1  }
0xdc: {  	[tilespmem:s24+$0xFFFFFF00] =	vst v8;
	v13 =	vld.idx.msk [tilespmem:v13+s3+$0x0], $0xffff;
	v10 =	vadd.s32 s25, v2  }
0xdd: {  	s30 =	simm.s32 $0xC;
	s31 =	simm.s32 $0x10;
	s29 =	simm.s32 $0xF;
	v17 =	vadd.s32 s1, v0;
	v8 =	vld.idx.msk [tilespmem:v19+s3+$0x0], $0xffff;
	[tilespmem:s23+$0xFFFFFF90] =	vst v18  }
.LBB2_9:
0xde: {  	p1 =	slt.u32 s31, $0x3C;
	v18 =	vadd.s32 s29, v1;
	v19 =	vld.idx.msk [tilespmem:v14+s3+$0x0], $0xffff;
	[tilespmem:s23+$0x10] =	vst v15;
	v15 =	vmov v4  }
0xdf: {  	v21 =	vadd.s32 s21, v0;
	s21 =	smov.u32 s26;
	v20 =	vld.idx.msk [tilespmem:v12+s3+$0x0], $0xffff;
	[tilespmem:s23+$0xFFFFFF10] =	vst v16;
	v16 =	vmov v5;
	s23 =	smov.u32 s24  }
0xe0: {  	v22 =	vadd.s32 s22, v0;
	s22 =	smov.u32 s28;
	s24 =	sadd.s32 $0x200, s24;
	v4 =	vld.idx.msk [tilespmem:v11+s3+$0x0], $0xffff;
	[tilespmem:s23+$0x90] =	vst v9  }
.Ltmp3:
0xe1: {  	s26 =	sadd.s32 $0x1, s31;
	v14 =	vadd.s32 s20, v3;
	s20 =	smov.u32 s25;
	v5 =	vld.idx.msk [tilespmem:v10+s3+$0x0], $0xffff;
	[tilespmem:s24+$0x80] =	vst v13;
	(pc) =	sbr.rel @p1 .LBB2_9-.Ltmp3, $4  }
0xe2: {  	s28 =	sadd.s32 $0x2, s31;
	s25 =	smov.u32 s30;
	s30 =	smov.u32 s31;
	v12 =	vadd.s32 s26, v1;
	[tilespmem:s24+$0xFFFFFF80] =	vst v6;
	v9 =	vld.idx.msk [tilespmem:v17+s3+$0x0], $0xffff;
	v6 =	vmov v7  }
0xe3: {  	v11 =	vadd.s32 s28, v1;
	v13 =	vld.idx.msk [tilespmem:v18+s3+$0x0], $0xffff;
	[tilespmem:s24+$0x0] =	vst v15;
	v15 =	vmov v8  }
0xe4: {  	v10 =	vadd.s32 s25, v2;
	[tilespmem:s24+$0xFFFFFF00] =	vst v16;
	v7 =	vld.idx.msk [tilespmem:v21+s3+$0x0], $0xffff;
	v16 =	vmov v19  }
0xe5: {  	s31 =	sadd.s32 $0x4, s31;
	v17 =	vadd.s32 s29, v0;
	s29 =	sadd.s32 $0x3, s30;
	v8 =	vld.idx.msk [tilespmem:v22+s3+$0x0], $0xffff;
	[tilespmem:s23+$0xFFFFFF90] =	vst v6;
	v6 =	vmov v20  }
0xe6: {  	_ = 	snop  }
0xe7: {  	[tilespmem:s23+$0x10] =	vst v15  }
0xe8: {  	v1 =	vadd.s32 s29, v1;
	[tilespmem:s23+$0xFFFFFF10] =	vst v16;
	s0 =	sadd.s32 $0x200, s24  }
0xe9: {  	[tilespmem:s0+$0xFFFFFF80] =	vst v6  }
0xea: {  	v2 =	vld.idx.msk [tilespmem:v14+s3+$0x0], $0xffff;
	[tilespmem:s0+$0x0] =	vst v4  }
0xeb: {  	[tilespmem:s0+$0xFFFFFF00] =	vst v5;
	v5 =	vld.idx.msk [tilespmem:v12+s3+$0x0], $0xffff  }
0xec: {  	v6 =	vadd.s32 s21, v0;
	[tilespmem:s24+$0xFFFFFF90] =	vst v7;
	v7 =	vld.idx.msk [tilespmem:v11+s3+$0x0], $0xffff  }
0xed: {  	v4 =	vadd.s32 s22, v0;
	[tilespmem:s0+$0x80] =	vst v13;
	v1 =	vld.idx.msk [tilespmem:v1+s3+$0x0], $0xffff  }
0xee: {  	[tilespmem:s24+$0x10] =	vst v8;
	v8 =	vld.idx.msk [tilespmem:v10+s3+$0x0], $0xffff;
	v10 =	vadd.s32 s26, v0  }
0xef: {  	[tilespmem:s24+$0x90] =	vst v9;
	v9 =	vld.idx.msk [tilespmem:v17+s3+$0x0], $0xffff;
	v11 =	vadd.s32 s29, v0;
	v0 =	vadd.s32 s28, v0  }
0xf0: {  	v12 =	vadd.s32 s20, v3;
	s26 =	sadd.s32 $0x200, s0;
	[tilespmem:s24+$0xFFFFFF10] =	vst v2  }
0xf1: {  	v2 =	vld.idx.msk [tilespmem:v6+s3+$0x0], $0xffff;
	[tilespmem:s26+$0xFFFFFF80] =	vst v5  }
0xf2: {  	v4 =	vld.idx.msk [tilespmem:v4+s3+$0x0], $0xffff;
	[tilespmem:s26+$0x80] =	vst v1;
	v1 =	vadd.s32 s25, v3  }
0xf3: {  	[tilespmem:s26+$0x0] =	vst v7;
	v6 =	vld.idx.msk [tilespmem:v10+s3+$0x0], $0xffff  }
0xf4: {  	[tilespmem:s0+$0x90] =	vst v9;
	v0 =	vld.idx.msk [tilespmem:v0+s3+$0x0], $0xffff  }
0xf5: {  	[tilespmem:s26+$0xFFFFFF00] =	vst v8;
	v3 =	vld.idx.msk [tilespmem:v12+s3+$0x0], $0xffff  }
0xf6: {  	v5 =	vld.idx.msk [tilespmem:v11+s3+$0x0], $0xffff;
	[tilespmem:s0+$0xFFFFFF90] =	vst v2  }
0xf7: {  	[tilespmem:s0+$0x10] =	vst v4;
	v1 =	vld.idx.msk [tilespmem:v1+s3+$0x0], $0xffff  }
0xf8: {  	[tilespmem:s26+$0xFFFFFF90] =	vst v6  }
0xf9: {  	[tilespmem:s26+$0x10] =	vst v0  }
0xfa: {  	[tilespmem:s0+$0xFFFFFF10] =	vst v3  }
0xfb: {  	[tilespmem:s26+$0x90] =	vst v5  }
0xfc: {  	[tilespmem:s26+$0xFFFFFF10] =	vst v1  }
0xfd: {  	v0 =	vld [tilespmem:s19+$0x11A00];
	_ =	sdelay $0x4  }
0xfe: {  	v1 =	vmul.u32 $0x48, v0  }
0xff: {  	s1 =	simm.s32 $0x1  }
0x100: {  	s21 =	simm.s32 $0x3;
	v3 =	vadd.s32 s1, v1  }
0x101: {  	s22 =	simm.s32 $0x2;
	v0 =	vld [tilespmem:s19+$0x11A10];
	v4 =	vadd.s32 s21, v1  }
0x102: {  	s24 =	simm.s32 $0x5;
	v5 =	vadd.s32 s22, v1  }
0x103: {  	s25 =	simm.s32 $0x6;
	v6 =	vadd.s32 s24, v1  }
0x104: {  	s26 =	simm.s32 $0x7;
	v7 =	vadd.s32 s25, v1;
	v10 =	vld.idx.msk [tilespmem:v1+s3+$0x0], $0xffff  }
0x105: {  	s28 =	simm.s32 $0x0;
	v2 =	vor.u32 $0x4, v1;
	v11 =	vadd.s32 s26, v1;
	v3 =	vld.idx.msk [tilespmem:v3+s3+$0x0], $0xffff  }
0x106: {  	v8 =	vadd.s32 s28, v2;
	v0 =	vmul.u32 $0x48, v0;
	v4 =	vld.idx.msk [tilespmem:v4+s3+$0x0], $0xffff  }
0x107: {  	v5 =	vld.idx.msk [tilespmem:v5+s3+$0x0], $0xffff  }
0x108: {  	v9 =	vadd.s32 s21, v0;
	v12 =	vld.idx.msk [tilespmem:v6+s3+$0x0], $0xffff  }
0x109: {  	s23 =	simm.s32 $0x19F10;
	v6 =	vadd.s32 s1, v0;
	v7 =	vld.idx.msk [tilespmem:v7+s3+$0x0], $0xffff  }
0x10a: {  	v13 =	vadd.s32 s22, v0;
	s21 =	simm.s32 $0x9;
	v11 =	vld.idx.msk [tilespmem:v11+s3+$0x0], $0xffff;
	[tilespmem:s23+$0xFFFFFE70] =	vst v10  }
0x10b: {  	s22 =	simm.s32 $0xA;
	v8 =	vld.idx.msk [tilespmem:v8+s3+$0x0], $0xffff;
	[tilespmem:s23+$0xFFFFFFF0] =	vst v4;
	v4 =	vadd.s32 s21, v1  }
0x10c: {  	[tilespmem:s23+$0xFFFFFEF0] =	vst v3;
	v3 =	vadd.s32 s22, v1;
	v16 =	vld.idx.msk [tilespmem:v0+s3+$0x0], $0xffff  }
0x10d: {  	s20 =	simm.s32 $0x4;
	v17 =	vadd.s32 s24, v0;
	v9 =	vld.idx.msk [tilespmem:v9+s3+$0x0], $0xffff  }
0x10e: {  	[tilespmem:s23+$0xFFFFFF70] =	vst v5;
	v5 =	vadd.s32 s20, v2;
	v18 =	vld.idx.msk [tilespmem:v6+s3+$0x0], $0xffff  }
0x10f: {  	s1 =	simm.s32 $0xB;
	v10 =	vadd.s32 s26, v0;
	v15 =	vld.idx.msk [tilespmem:v13+s3+$0x0], $0xffff  }
0x110: {  	s24 =	simm.s32 $0x1A110;
	v13 =	vadd.s32 s1, v1;
	v6 =	vld.idx.msk [tilespmem:v4+s3+$0x0], $0xffff  }
0x111: {  	v19 =	vadd.s32 s25, v0;
	[tilespmem:s24+$0xFFFFFEF0] =	vst v12;
	v4 =	vld.idx.msk [tilespmem:v3+s3+$0x0], $0xffff;
	v3 =	vor.u32 $0x4, v0  }
0x112: {  	s26 =	simm.s32 $0xD;
	[tilespmem:s24+$0xFFFFFF70] =	vst v7;
	v7 =	vld.idx.msk [tilespmem:v17+s3+$0x0], $0xffff;
	v14 =	vadd.s32 s28, v3  }
0x113: {  	[tilespmem:s24+$0xFFFFFFF0] =	vst v11;
	v12 =	vadd.s32 s26, v1;
	v5 =	vld.idx.msk [tilespmem:v5+s3+$0x0], $0xffff;
	s28 =	simm.s32 $0xE  }
0x114: {  	s25 =	simm.s32 $0x8;
	[tilespmem:s23+$0x0] =	vst v9;
	v9 =	vld.idx.msk [tilespmem:v10+s3+$0x0], $0xffff;
	v11 =	vadd.s32 s28, v1  }
0x115: {  	[tilespmem:s24+$0xFFFFFE70] =	vst v8;
	v13 =	vld.idx.msk [tilespmem:v13+s3+$0x0], $0xffff;
	v10 =	vadd.s32 s25, v2  }
0x116: {  	s30 =	simm.s32 $0xC;
	s31 =	simm.s32 $0x10;
	s29 =	simm.s32 $0xF;
	v17 =	vadd.s32 s1, v0;
	v8 =	vld.idx.msk [tilespmem:v19+s3+$0x0], $0xffff;
	[tilespmem:s23+$0xFFFFFF00] =	vst v18  }
.LBB2_11:
0x117: {  	p1 =	slt.u32 s31, $0x3C;
	v18 =	vadd.s32 s29, v1;
	v19 =	vld.idx.msk [tilespmem:v14+s3+$0x0], $0xffff;
	[tilespmem:s23+$0xFFFFFF80] =	vst v15;
	v15 =	vmov v4  }
0x118: {  	v21 =	vadd.s32 s21, v0;
	s21 =	smov.u32 s26;
	v20 =	vld.idx.msk [tilespmem:v12+s3+$0x0], $0xffff;
	[tilespmem:s23+$0xFFFFFE80] =	vst v16;
	v16 =	vmov v5;
	s23 =	smov.u32 s24  }
0x119: {  	v22 =	vadd.s32 s22, v0;
	s22 =	smov.u32 s28;
	s24 =	sadd.s32 $0x200, s24;
	v4 =	vld.idx.msk [tilespmem:v11+s3+$0x0], $0xffff;
	[tilespmem:s23+$0x0] =	vst v9  }
.Ltmp4:
0x11a: {  	s26 =	sadd.s32 $0x1, s31;
	v14 =	vadd.s32 s20, v3;
	s20 =	smov.u32 s25;
	v5 =	vld.idx.msk [tilespmem:v10+s3+$0x0], $0xffff;
	[tilespmem:s24+$0xFFFFFFF0] =	vst v13;
	(pc) =	sbr.rel @p1 .LBB2_11-.Ltmp4, $4  }
0x11b: {  	s28 =	sadd.s32 $0x2, s31;
	s25 =	smov.u32 s30;
	s30 =	smov.u32 s31;
	v12 =	vadd.s32 s26, v1;
	[tilespmem:s24+$0xFFFFFEF0] =	vst v6;
	v9 =	vld.idx.msk [tilespmem:v17+s3+$0x0], $0xffff;
	v6 =	vmov v7  }
0x11c: {  	v11 =	vadd.s32 s28, v1;
	v13 =	vld.idx.msk [tilespmem:v18+s3+$0x0], $0xffff;
	[tilespmem:s24+$0xFFFFFF70] =	vst v15;
	v15 =	vmov v8  }
0x11d: {  	v10 =	vadd.s32 s25, v2;
	[tilespmem:s24+$0xFFFFFE70] =	vst v16;
	v7 =	vld.idx.msk [tilespmem:v21+s3+$0x0], $0xffff;
	v16 =	vmov v19  }
0x11e: {  	s31 =	sadd.s32 $0x4, s31;
	v17 =	vadd.s32 s29, v0;
	s29 =	sadd.s32 $0x3, s30;
	v8 =	vld.idx.msk [tilespmem:v22+s3+$0x0], $0xffff;
	[tilespmem:s23+$0xFFFFFF00] =	vst v6;
	v6 =	vmov v20  }
0x11f: {  	_ = 	snop  }
0x120: {  	[tilespmem:s23+$0xFFFFFF80] =	vst v15  }
0x121: {  	v1 =	vadd.s32 s29, v1;
	[tilespmem:s23+$0xFFFFFE80] =	vst v16;
	s0 =	sadd.s32 $0x200, s24  }
0x122: {  	[tilespmem:s0+$0xFFFFFEF0] =	vst v6  }
0x123: {  	v2 =	vld.idx.msk [tilespmem:v14+s3+$0x0], $0xffff;
	[tilespmem:s0+$0xFFFFFF70] =	vst v4  }
0x124: {  	[tilespmem:s0+$0xFFFFFE70] =	vst v5;
	v5 =	vld.idx.msk [tilespmem:v12+s3+$0x0], $0xffff  }
0x125: {  	v6 =	vadd.s32 s21, v0;
	[tilespmem:s24+$0xFFFFFF00] =	vst v7;
	v7 =	vld.idx.msk [tilespmem:v11+s3+$0x0], $0xffff  }
0x126: {  	v4 =	vadd.s32 s22, v0;
	[tilespmem:s0+$0xFFFFFFF0] =	vst v13;
	v1 =	vld.idx.msk [tilespmem:v1+s3+$0x0], $0xffff  }
0x127: {  	[tilespmem:s24+$0xFFFFFF80] =	vst v8;
	v8 =	vld.idx.msk [tilespmem:v10+s3+$0x0], $0xffff;
	v10 =	vadd.s32 s26, v0  }
0x128: {  	[tilespmem:s24+$0x0] =	vst v9;
	v9 =	vld.idx.msk [tilespmem:v17+s3+$0x0], $0xffff;
	v11 =	vadd.s32 s29, v0;
	v0 =	vadd.s32 s28, v0  }
0x129: {  	v12 =	vadd.s32 s20, v3;
	s26 =	sadd.s32 $0x200, s0;
	[tilespmem:s24+$0xFFFFFE80] =	vst v2  }
0x12a: {  	v2 =	vld.idx.msk [tilespmem:v6+s3+$0x0], $0xffff;
	[tilespmem:s26+$0xFFFFFEF0] =	vst v5  }
0x12b: {  	v4 =	vld.idx.msk [tilespmem:v4+s3+$0x0], $0xffff;
	[tilespmem:s26+$0xFFFFFFF0] =	vst v1;
	v1 =	vadd.s32 s25, v3  }
0x12c: {  	[tilespmem:s26+$0xFFFFFF70] =	vst v7;
	v6 =	vld.idx.msk [tilespmem:v10+s3+$0x0], $0xffff  }
0x12d: {  	[tilespmem:s0+$0x0] =	vst v9;
	v0 =	vld.idx.msk [tilespmem:v0+s3+$0x0], $0xffff  }
0x12e: {  	[tilespmem:s26+$0xFFFFFE70] =	vst v8;
	v3 =	vld.idx.msk [tilespmem:v12+s3+$0x0], $0xffff  }
0x12f: {  	v5 =	vld.idx.msk [tilespmem:v11+s3+$0x0], $0xffff;
	[tilespmem:s0+$0xFFFFFF00] =	vst v2  }
0x130: {  	[tilespmem:s0+$0xFFFFFF80] =	vst v4;
	v1 =	vld.idx.msk [tilespmem:v1+s3+$0x0], $0xffff  }
0x131: {  	[tilespmem:s26+$0xFFFFFF00] =	vst v6  }
0x132: {  	[tilespmem:s26+$0xFFFFFF80] =	vst v0  }
0x133: {  	[tilespmem:s0+$0xFFFFFE80] =	vst v3  }
0x134: {  	[tilespmem:s26+$0x0] =	vst v5  }
0x135: {  	[tilespmem:s26+$0xFFFFFE80] =	vst v1  }
0x136: {  	v0 =	vld [tilespmem:s19+$0x11A20];
	_ =	sdelay $0x4  }
0x137: {  	v1 =	vmul.u32 $0x48, v0  }
0x138: {  	s1 =	simm.s32 $0x1  }
0x139: {  	s21 =	simm.s32 $0x3;
	v3 =	vadd.s32 s1, v1  }
0x13a: {  	s22 =	simm.s32 $0x2;
	v0 =	vld [tilespmem:s19+$0x11A30];
	v4 =	vadd.s32 s21, v1  }
0x13b: {  	s24 =	simm.s32 $0x5;
	v5 =	vadd.s32 s22, v1  }
0x13c: {  	s25 =	simm.s32 $0x6;
	v6 =	vadd.s32 s24, v1  }
0x13d: {  	s26 =	simm.s32 $0x7;
	v7 =	vadd.s32 s25, v1;
	v10 =	vld.idx.msk [tilespmem:v1+s3+$0x0], $0xffff  }
0x13e: {  	s28 =	simm.s32 $0x0;
	v2 =	vor.u32 $0x4, v1;
	v11 =	vadd.s32 s26, v1;
	v3 =	vld.idx.msk [tilespmem:v3+s3+$0x0], $0xffff  }
0x13f: {  	v8 =	vadd.s32 s28, v2;
	v0 =	vmul.u32 $0x48, v0;
	v4 =	vld.idx.msk [tilespmem:v4+s3+$0x0], $0xffff  }
0x140: {  	v5 =	vld.idx.msk [tilespmem:v5+s3+$0x0], $0xffff  }
0x141: {  	v9 =	vadd.s32 s21, v0;
	v12 =	vld.idx.msk [tilespmem:v6+s3+$0x0], $0xffff  }
0x142: {  	s23 =	simm.s32 $0x19F30;
	v6 =	vadd.s32 s1, v0;
	v7 =	vld.idx.msk [tilespmem:v7+s3+$0x0], $0xffff  }
0x143: {  	v13 =	vadd.s32 s22, v0;
	s21 =	simm.s32 $0x9;
	v11 =	vld.idx.msk [tilespmem:v11+s3+$0x0], $0xffff;
	[tilespmem:s23+$0xFFFFFE70] =	vst v10  }
0x144: {  	s22 =	simm.s32 $0xA;
	v8 =	vld.idx.msk [tilespmem:v8+s3+$0x0], $0xffff;
	[tilespmem:s23+$0xFFFFFFF0] =	vst v4;
	v4 =	vadd.s32 s21, v1  }
0x145: {  	[tilespmem:s23+$0xFFFFFEF0] =	vst v3;
	v3 =	vadd.s32 s22, v1;
	v16 =	vld.idx.msk [tilespmem:v0+s3+$0x0], $0xffff  }
0x146: {  	s20 =	simm.s32 $0x4;
	v17 =	vadd.s32 s24, v0;
	v9 =	vld.idx.msk [tilespmem:v9+s3+$0x0], $0xffff  }
0x147: {  	[tilespmem:s23+$0xFFFFFF70] =	vst v5;
	v5 =	vadd.s32 s20, v2;
	v18 =	vld.idx.msk [tilespmem:v6+s3+$0x0], $0xffff  }
0x148: {  	s1 =	simm.s32 $0xB;
	v10 =	vadd.s32 s26, v0;
	v15 =	vld.idx.msk [tilespmem:v13+s3+$0x0], $0xffff  }
0x149: {  	s24 =	simm.s32 $0x1A130;
	v13 =	vadd.s32 s1, v1;
	v6 =	vld.idx.msk [tilespmem:v4+s3+$0x0], $0xffff  }
0x14a: {  	v19 =	vadd.s32 s25, v0;
	[tilespmem:s24+$0xFFFFFEF0] =	vst v12;
	v4 =	vld.idx.msk [tilespmem:v3+s3+$0x0], $0xffff;
	v3 =	vor.u32 $0x4, v0  }
0x14b: {  	s26 =	simm.s32 $0xD;
	[tilespmem:s24+$0xFFFFFF70] =	vst v7;
	v7 =	vld.idx.msk [tilespmem:v17+s3+$0x0], $0xffff;
	v14 =	vadd.s32 s28, v3  }
0x14c: {  	[tilespmem:s24+$0xFFFFFFF0] =	vst v11;
	v12 =	vadd.s32 s26, v1;
	v5 =	vld.idx.msk [tilespmem:v5+s3+$0x0], $0xffff;
	s28 =	simm.s32 $0xE  }
0x14d: {  	s25 =	simm.s32 $0x8;
	[tilespmem:s23+$0x0] =	vst v9;
	v9 =	vld.idx.msk [tilespmem:v10+s3+$0x0], $0xffff;
	v11 =	vadd.s32 s28, v1  }
0x14e: {  	[tilespmem:s24+$0xFFFFFE70] =	vst v8;
	v13 =	vld.idx.msk [tilespmem:v13+s3+$0x0], $0xffff;
	v10 =	vadd.s32 s25, v2  }
0x14f: {  	s30 =	simm.s32 $0xC;
	s31 =	simm.s32 $0x10;
	s29 =	simm.s32 $0xF;
	v17 =	vadd.s32 s1, v0;
	v8 =	vld.idx.msk [tilespmem:v19+s3+$0x0], $0xffff;
	[tilespmem:s23+$0xFFFFFF00] =	vst v18  }
.LBB2_13:
0x150: {  	p1 =	slt.u32 s31, $0x3C;
	v18 =	vadd.s32 s29, v1;
	v19 =	vld.idx.msk [tilespmem:v14+s3+$0x0], $0xffff;
	[tilespmem:s23+$0xFFFFFF80] =	vst v15;
	v15 =	vmov v4  }
0x151: {  	v21 =	vadd.s32 s21, v0;
	s21 =	smov.u32 s26;
	v20 =	vld.idx.msk [tilespmem:v12+s3+$0x0], $0xffff;
	[tilespmem:s23+$0xFFFFFE80] =	vst v16;
	v16 =	vmov v5;
	s23 =	smov.u32 s24  }
0x152: {  	v22 =	vadd.s32 s22, v0;
	s22 =	smov.u32 s28;
	s24 =	sadd.s32 $0x200, s24;
	v4 =	vld.idx.msk [tilespmem:v11+s3+$0x0], $0xffff;
	[tilespmem:s23+$0x0] =	vst v9  }
.Ltmp5:
0x153: {  	s26 =	sadd.s32 $0x1, s31;
	v14 =	vadd.s32 s20, v3;
	s20 =	smov.u32 s25;
	v5 =	vld.idx.msk [tilespmem:v10+s3+$0x0], $0xffff;
	[tilespmem:s24+$0xFFFFFFF0] =	vst v13;
	(pc) =	sbr.rel @p1 .LBB2_13-.Ltmp5, $4  }
0x154: {  	s28 =	sadd.s32 $0x2, s31;
	s25 =	smov.u32 s30;
	s30 =	smov.u32 s31;
	v12 =	vadd.s32 s26, v1;
	[tilespmem:s24+$0xFFFFFEF0] =	vst v6;
	v9 =	vld.idx.msk [tilespmem:v17+s3+$0x0], $0xffff;
	v6 =	vmov v7  }
0x155: {  	v11 =	vadd.s32 s28, v1;
	v13 =	vld.idx.msk [tilespmem:v18+s3+$0x0], $0xffff;
	[tilespmem:s24+$0xFFFFFF70] =	vst v15;
	v15 =	vmov v8  }
0x156: {  	v10 =	vadd.s32 s25, v2;
	[tilespmem:s24+$0xFFFFFE70] =	vst v16;
	v7 =	vld.idx.msk [tilespmem:v21+s3+$0x0], $0xffff;
	v16 =	vmov v19  }
0x157: {  	s31 =	sadd.s32 $0x4, s31;
	v17 =	vadd.s32 s29, v0;
	s29 =	sadd.s32 $0x3, s30;
	v8 =	vld.idx.msk [tilespmem:v22+s3+$0x0], $0xffff;
	[tilespmem:s23+$0xFFFFFF00] =	vst v6;
	v6 =	vmov v20  }
0x158: {  	_ = 	snop  }
0x159: {  	[tilespmem:s23+$0xFFFFFF80] =	vst v15  }
0x15a: {  	v1 =	vadd.s32 s29, v1;
	[tilespmem:s23+$0xFFFFFE80] =	vst v16;
	s0 =	sadd.s32 $0x200, s24  }
0x15b: {  	[tilespmem:s0+$0xFFFFFEF0] =	vst v6  }
0x15c: {  	v2 =	vld.idx.msk [tilespmem:v14+s3+$0x0], $0xffff;
	[tilespmem:s0+$0xFFFFFF70] =	vst v4  }
0x15d: {  	[tilespmem:s0+$0xFFFFFE70] =	vst v5;
	v5 =	vld.idx.msk [tilespmem:v12+s3+$0x0], $0xffff  }
0x15e: {  	v6 =	vadd.s32 s21, v0;
	[tilespmem:s24+$0xFFFFFF00] =	vst v7;
	v7 =	vld.idx.msk [tilespmem:v11+s3+$0x0], $0xffff  }
0x15f: {  	v4 =	vadd.s32 s22, v0;
	[tilespmem:s0+$0xFFFFFFF0] =	vst v13;
	v1 =	vld.idx.msk [tilespmem:v1+s3+$0x0], $0xffff  }
0x160: {  	[tilespmem:s24+$0xFFFFFF80] =	vst v8;
	v8 =	vld.idx.msk [tilespmem:v10+s3+$0x0], $0xffff;
	v10 =	vadd.s32 s26, v0  }
0x161: {  	[tilespmem:s24+$0x0] =	vst v9;
	v9 =	vld.idx.msk [tilespmem:v17+s3+$0x0], $0xffff;
	v11 =	vadd.s32 s29, v0;
	v0 =	vadd.s32 s28, v0  }
0x162: {  	v12 =	vadd.s32 s20, v3;
	s26 =	sadd.s32 $0x200, s0;
	[tilespmem:s24+$0xFFFFFE80] =	vst v2  }
0x163: {  	v2 =	vld.idx.msk [tilespmem:v6+s3+$0x0], $0xffff;
	[tilespmem:s26+$0xFFFFFEF0] =	vst v5  }
0x164: {  	v4 =	vld.idx.msk [tilespmem:v4+s3+$0x0], $0xffff;
	[tilespmem:s26+$0xFFFFFFF0] =	vst v1;
	v1 =	vadd.s32 s25, v3  }
0x165: {  	[tilespmem:s26+$0xFFFFFF70] =	vst v7;
	v6 =	vld.idx.msk [tilespmem:v10+s3+$0x0], $0xffff  }
0x166: {  	[tilespmem:s0+$0x0] =	vst v9;
	v0 =	vld.idx.msk [tilespmem:v0+s3+$0x0], $0xffff  }
0x167: {  	[tilespmem:s26+$0xFFFFFE70] =	vst v8;
	v3 =	vld.idx.msk [tilespmem:v12+s3+$0x0], $0xffff  }
0x168: {  	v5 =	vld.idx.msk [tilespmem:v11+s3+$0x0], $0xffff;
	[tilespmem:s0+$0xFFFFFF00] =	vst v2  }
0x169: {  	[tilespmem:s0+$0xFFFFFF80] =	vst v4;
	v1 =	vld.idx.msk [tilespmem:v1+s3+$0x0], $0xffff  }
0x16a: {  	[tilespmem:s26+$0xFFFFFF00] =	vst v6  }
0x16b: {  	[tilespmem:s26+$0xFFFFFF80] =	vst v0  }
0x16c: {  	[tilespmem:s0+$0xFFFFFE80] =	vst v3  }
0x16d: {  	[tilespmem:s26+$0x0] =	vst v5  }
0x16e: {  	[tilespmem:s26+$0xFFFFFE80] =	vst v1  }
0x16f: {  	v0 =	vld [tilespmem:s19+$0x11A40];
	_ =	sdelay $0x4  }
0x170: {  	v1 =	vmul.u32 $0x48, v0  }
0x171: {  	s1 =	simm.s32 $0x1  }
0x172: {  	s21 =	simm.s32 $0x3;
	v3 =	vadd.s32 s1, v1  }
0x173: {  	s22 =	simm.s32 $0x2;
	v0 =	vld [tilespmem:s19+$0x11A50];
	v4 =	vadd.s32 s21, v1  }
0x174: {  	s24 =	simm.s32 $0x5;
	v5 =	vadd.s32 s22, v1  }
0x175: {  	s25 =	simm.s32 $0x6;
	v6 =	vadd.s32 s24, v1  }
0x176: {  	s26 =	simm.s32 $0x7;
	v7 =	vadd.s32 s25, v1;
	v10 =	vld.idx.msk [tilespmem:v1+s3+$0x0], $0xffff  }
0x177: {  	s28 =	simm.s32 $0x0;
	v2 =	vor.u32 $0x4, v1;
	v11 =	vadd.s32 s26, v1;
	v3 =	vld.idx.msk [tilespmem:v3+s3+$0x0], $0xffff  }
0x178: {  	v8 =	vadd.s32 s28, v2;
	v0 =	vmul.u32 $0x48, v0;
	v4 =	vld.idx.msk [tilespmem:v4+s3+$0x0], $0xffff  }
0x179: {  	v5 =	vld.idx.msk [tilespmem:v5+s3+$0x0], $0xffff  }
0x17a: {  	v9 =	vadd.s32 s21, v0;
	v12 =	vld.idx.msk [tilespmem:v6+s3+$0x0], $0xffff  }
0x17b: {  	s23 =	simm.s32 $0x19F50;
	v6 =	vadd.s32 s1, v0;
	v7 =	vld.idx.msk [tilespmem:v7+s3+$0x0], $0xffff  }
0x17c: {  	v13 =	vadd.s32 s22, v0;
	s21 =	simm.s32 $0x9;
	v11 =	vld.idx.msk [tilespmem:v11+s3+$0x0], $0xffff;
	[tilespmem:s23+$0xFFFFFE70] =	vst v10  }
0x17d: {  	s22 =	simm.s32 $0xA;
	v8 =	vld.idx.msk [tilespmem:v8+s3+$0x0], $0xffff;
	[tilespmem:s23+$0xFFFFFFF0] =	vst v4;
	v4 =	vadd.s32 s21, v1  }
0x17e: {  	[tilespmem:s23+$0xFFFFFEF0] =	vst v3;
	v3 =	vadd.s32 s22, v1;
	v16 =	vld.idx.msk [tilespmem:v0+s3+$0x0], $0xffff  }
0x17f: {  	s20 =	simm.s32 $0x4;
	v17 =	vadd.s32 s24, v0;
	v9 =	vld.idx.msk [tilespmem:v9+s3+$0x0], $0xffff  }
0x180: {  	[tilespmem:s23+$0xFFFFFF70] =	vst v5;
	v5 =	vadd.s32 s20, v2;
	v18 =	vld.idx.msk [tilespmem:v6+s3+$0x0], $0xffff  }
0x181: {  	s1 =	simm.s32 $0xB;
	v10 =	vadd.s32 s26, v0;
	v15 =	vld.idx.msk [tilespmem:v13+s3+$0x0], $0xffff  }
0x182: {  	s24 =	simm.s32 $0x1A150;
	v13 =	vadd.s32 s1, v1;
	v6 =	vld.idx.msk [tilespmem:v4+s3+$0x0], $0xffff  }
0x183: {  	v19 =	vadd.s32 s25, v0;
	[tilespmem:s24+$0xFFFFFEF0] =	vst v12;
	v4 =	vld.idx.msk [tilespmem:v3+s3+$0x0], $0xffff;
	v3 =	vor.u32 $0x4, v0  }
0x184: {  	s26 =	simm.s32 $0xD;
	[tilespmem:s24+$0xFFFFFF70] =	vst v7;
	v7 =	vld.idx.msk [tilespmem:v17+s3+$0x0], $0xffff;
	v14 =	vadd.s32 s28, v3  }
0x185: {  	[tilespmem:s24+$0xFFFFFFF0] =	vst v11;
	v12 =	vadd.s32 s26, v1;
	v5 =	vld.idx.msk [tilespmem:v5+s3+$0x0], $0xffff;
	s28 =	simm.s32 $0xE  }
0x186: {  	s25 =	simm.s32 $0x8;
	[tilespmem:s23+$0x0] =	vst v9;
	v9 =	vld.idx.msk [tilespmem:v10+s3+$0x0], $0xffff;
	v11 =	vadd.s32 s28, v1  }
0x187: {  	[tilespmem:s24+$0xFFFFFE70] =	vst v8;
	v13 =	vld.idx.msk [tilespmem:v13+s3+$0x0], $0xffff;
	v10 =	vadd.s32 s25, v2  }
0x188: {  	s30 =	simm.s32 $0xC;
	s31 =	simm.s32 $0x10;
	s29 =	simm.s32 $0xF;
	v17 =	vadd.s32 s1, v0;
	v8 =	vld.idx.msk [tilespmem:v19+s3+$0x0], $0xffff;
	[tilespmem:s23+$0xFFFFFF00] =	vst v18  }
.LBB2_15:
0x189: {  	p1 =	slt.u32 s31, $0x3C;
	v18 =	vadd.s32 s29, v1;
	v19 =	vld.idx.msk [tilespmem:v14+s3+$0x0], $0xffff;
	[tilespmem:s23+$0xFFFFFF80] =	vst v15;
	v15 =	vmov v4  }
0x18a: {  	v21 =	vadd.s32 s21, v0;
	s21 =	smov.u32 s26;
	v20 =	vld.idx.msk [tilespmem:v12+s3+$0x0], $0xffff;
	[tilespmem:s23+$0xFFFFFE80] =	vst v16;
	v16 =	vmov v5;
	s23 =	smov.u32 s24  }
0x18b: {  	v22 =	vadd.s32 s22, v0;
	s22 =	smov.u32 s28;
	s24 =	sadd.s32 $0x200, s24;
	v4 =	vld.idx.msk [tilespmem:v11+s3+$0x0], $0xffff;
	[tilespmem:s23+$0x0] =	vst v9  }
.Ltmp6:
0x18c: {  	s26 =	sadd.s32 $0x1, s31;
	v14 =	vadd.s32 s20, v3;
	s20 =	smov.u32 s25;
	v5 =	vld.idx.msk [tilespmem:v10+s3+$0x0], $0xffff;
	[tilespmem:s24+$0xFFFFFFF0] =	vst v13;
	(pc) =	sbr.rel @p1 .LBB2_15-.Ltmp6, $4  }
0x18d: {  	s28 =	sadd.s32 $0x2, s31;
	s25 =	smov.u32 s30;
	s30 =	smov.u32 s31;
	v12 =	vadd.s32 s26, v1;
	[tilespmem:s24+$0xFFFFFEF0] =	vst v6;
	v9 =	vld.idx.msk [tilespmem:v17+s3+$0x0], $0xffff;
	v6 =	vmov v7  }
0x18e: {  	v11 =	vadd.s32 s28, v1;
	v13 =	vld.idx.msk [tilespmem:v18+s3+$0x0], $0xffff;
	[tilespmem:s24+$0xFFFFFF70] =	vst v15;
	v15 =	vmov v8  }
0x18f: {  	v10 =	vadd.s32 s25, v2;
	[tilespmem:s24+$0xFFFFFE70] =	vst v16;
	v7 =	vld.idx.msk [tilespmem:v21+s3+$0x0], $0xffff;
	v16 =	vmov v19  }
0x190: {  	s31 =	sadd.s32 $0x4, s31;
	v17 =	vadd.s32 s29, v0;
	s29 =	sadd.s32 $0x3, s30;
	v8 =	vld.idx.msk [tilespmem:v22+s3+$0x0], $0xffff;
	[tilespmem:s23+$0xFFFFFF00] =	vst v6;
	v6 =	vmov v20  }
0x191: {  	_ = 	snop  }
0x192: {  	[tilespmem:s23+$0xFFFFFF80] =	vst v15  }
0x193: {  	v1 =	vadd.s32 s29, v1;
	[tilespmem:s23+$0xFFFFFE80] =	vst v16;
	s0 =	sadd.s32 $0x200, s24  }
0x194: {  	[tilespmem:s0+$0xFFFFFEF0] =	vst v6  }
0x195: {  	v2 =	vld.idx.msk [tilespmem:v14+s3+$0x0], $0xffff;
	[tilespmem:s0+$0xFFFFFF70] =	vst v4  }
0x196: {  	[tilespmem:s0+$0xFFFFFE70] =	vst v5;
	v5 =	vld.idx.msk [tilespmem:v12+s3+$0x0], $0xffff  }
0x197: {  	v6 =	vadd.s32 s21, v0;
	[tilespmem:s24+$0xFFFFFF00] =	vst v7;
	v7 =	vld.idx.msk [tilespmem:v11+s3+$0x0], $0xffff  }
0x198: {  	v4 =	vadd.s32 s22, v0;
	[tilespmem:s0+$0xFFFFFFF0] =	vst v13;
	v1 =	vld.idx.msk [tilespmem:v1+s3+$0x0], $0xffff  }
0x199: {  	[tilespmem:s24+$0xFFFFFF80] =	vst v8;
	v8 =	vld.idx.msk [tilespmem:v10+s3+$0x0], $0xffff;
	v10 =	vadd.s32 s26, v0  }
0x19a: {  	[tilespmem:s24+$0x0] =	vst v9;
	v9 =	vld.idx.msk [tilespmem:v17+s3+$0x0], $0xffff;
	v11 =	vadd.s32 s29, v0;
	v0 =	vadd.s32 s28, v0  }
0x19b: {  	v12 =	vadd.s32 s20, v3;
	s26 =	sadd.s32 $0x200, s0;
	[tilespmem:s24+$0xFFFFFE80] =	vst v2  }
0x19c: {  	v2 =	vld.idx.msk [tilespmem:v6+s3+$0x0], $0xffff;
	[tilespmem:s26+$0xFFFFFEF0] =	vst v5  }
0x19d: {  	v4 =	vld.idx.msk [tilespmem:v4+s3+$0x0], $0xffff;
	[tilespmem:s26+$0xFFFFFFF0] =	vst v1;
	v1 =	vadd.s32 s25, v3  }
0x19e: {  	[tilespmem:s26+$0xFFFFFF70] =	vst v7;
	v6 =	vld.idx.msk [tilespmem:v10+s3+$0x0], $0xffff  }
0x19f: {  	[tilespmem:s0+$0x0] =	vst v9;
	v0 =	vld.idx.msk [tilespmem:v0+s3+$0x0], $0xffff  }
0x1a0: {  	[tilespmem:s26+$0xFFFFFE70] =	vst v8;
	v3 =	vld.idx.msk [tilespmem:v12+s3+$0x0], $0xffff  }
0x1a1: {  	v5 =	vld.idx.msk [tilespmem:v11+s3+$0x0], $0xffff;
	[tilespmem:s0+$0xFFFFFF00] =	vst v2  }
0x1a2: {  	[tilespmem:s0+$0xFFFFFF80] =	vst v4;
	v1 =	vld.idx.msk [tilespmem:v1+s3+$0x0], $0xffff  }
0x1a3: {  	[tilespmem:s26+$0xFFFFFF00] =	vst v6  }
0x1a4: {  	[tilespmem:s26+$0xFFFFFF80] =	vst v0  }
0x1a5: {  	[tilespmem:s0+$0xFFFFFE80] =	vst v3  }
0x1a6: {  	[tilespmem:s26+$0x0] =	vst v5  }
0x1a7: {  	[tilespmem:s26+$0xFFFFFE80] =	vst v1  }
0x1a8: {  	v0 =	vld [tilespmem:s19+$0x11A60];
	_ =	sdelay $0x4  }
0x1a9: {  	v1 =	vmul.u32 $0x48, v0  }
0x1aa: {  	s1 =	simm.s32 $0x1  }
0x1ab: {  	s21 =	simm.s32 $0x3;
	v3 =	vadd.s32 s1, v1  }
0x1ac: {  	s22 =	simm.s32 $0x2;
	v0 =	vld [tilespmem:s19+$0x11A70];
	v4 =	vadd.s32 s21, v1  }
0x1ad: {  	s24 =	simm.s32 $0x5;
	v5 =	vadd.s32 s22, v1  }
0x1ae: {  	s25 =	simm.s32 $0x6;
	v6 =	vadd.s32 s24, v1  }
0x1af: {  	s26 =	simm.s32 $0x7;
	v7 =	vadd.s32 s25, v1;
	v10 =	vld.idx.msk [tilespmem:v1+s3+$0x0], $0xffff  }
0x1b0: {  	s28 =	simm.s32 $0x0;
	v2 =	vor.u32 $0x4, v1;
	v11 =	vadd.s32 s26, v1;
	v3 =	vld.idx.msk [tilespmem:v3+s3+$0x0], $0xffff  }
0x1b1: {  	v8 =	vadd.s32 s28, v2;
	v0 =	vmul.u32 $0x48, v0;
	v4 =	vld.idx.msk [tilespmem:v4+s3+$0x0], $0xffff  }
0x1b2: {  	v5 =	vld.idx.msk [tilespmem:v5+s3+$0x0], $0xffff  }
0x1b3: {  	v9 =	vadd.s32 s21, v0;
	v12 =	vld.idx.msk [tilespmem:v6+s3+$0x0], $0xffff  }
0x1b4: {  	s23 =	simm.s32 $0x19F70;
	v6 =	vadd.s32 s1, v0;
	v7 =	vld.idx.msk [tilespmem:v7+s3+$0x0], $0xffff  }
0x1b5: {  	v13 =	vadd.s32 s22, v0;
	s21 =	simm.s32 $0x9;
	v11 =	vld.idx.msk [tilespmem:v11+s3+$0x0], $0xffff;
	[tilespmem:s23+$0xFFFFFE70] =	vst v10  }
0x1b6: {  	s22 =	simm.s32 $0xA;
	v8 =	vld.idx.msk [tilespmem:v8+s3+$0x0], $0xffff;
	[tilespmem:s23+$0xFFFFFFF0] =	vst v4;
	v4 =	vadd.s32 s21, v1  }
0x1b7: {  	[tilespmem:s23+$0xFFFFFEF0] =	vst v3;
	v3 =	vadd.s32 s22, v1;
	v16 =	vld.idx.msk [tilespmem:v0+s3+$0x0], $0xffff  }
0x1b8: {  	s20 =	simm.s32 $0x4;
	v17 =	vadd.s32 s24, v0;
	v9 =	vld.idx.msk [tilespmem:v9+s3+$0x0], $0xffff  }
0x1b9: {  	[tilespmem:s23+$0xFFFFFF70] =	vst v5;
	v5 =	vadd.s32 s20, v2;
	v18 =	vld.idx.msk [tilespmem:v6+s3+$0x0], $0xffff  }
0x1ba: {  	s1 =	simm.s32 $0xB;
	v10 =	vadd.s32 s26, v0;
	v15 =	vld.idx.msk [tilespmem:v13+s3+$0x0], $0xffff  }
0x1bb: {  	s24 =	simm.s32 $0x1A170;
	v13 =	vadd.s32 s1, v1;
	v6 =	vld.idx.msk [tilespmem:v4+s3+$0x0], $0xffff  }
0x1bc: {  	v19 =	vadd.s32 s25, v0;
	[tilespmem:s24+$0xFFFFFEF0] =	vst v12;
	v4 =	vld.idx.msk [tilespmem:v3+s3+$0x0], $0xffff;
	v3 =	vor.u32 $0x4, v0  }
0x1bd: {  	s26 =	simm.s32 $0xD;
	[tilespmem:s24+$0xFFFFFF70] =	vst v7;
	v7 =	vld.idx.msk [tilespmem:v17+s3+$0x0], $0xffff;
	v14 =	vadd.s32 s28, v3  }
0x1be: {  	[tilespmem:s24+$0xFFFFFFF0] =	vst v11;
	v12 =	vadd.s32 s26, v1;
	v5 =	vld.idx.msk [tilespmem:v5+s3+$0x0], $0xffff;
	s28 =	simm.s32 $0xE  }
0x1bf: {  	s25 =	simm.s32 $0x8;
	[tilespmem:s23+$0x0] =	vst v9;
	v9 =	vld.idx.msk [tilespmem:v10+s3+$0x0], $0xffff;
	v11 =	vadd.s32 s28, v1  }
0x1c0: {  	[tilespmem:s24+$0xFFFFFE70] =	vst v8;
	v13 =	vld.idx.msk [tilespmem:v13+s3+$0x0], $0xffff;
	v10 =	vadd.s32 s25, v2  }
0x1c1: {  	s30 =	simm.s32 $0xC;
	s31 =	simm.s32 $0x10;
	s29 =	simm.s32 $0xF;
	v17 =	vadd.s32 s1, v0;
	v8 =	vld.idx.msk [tilespmem:v19+s3+$0x0], $0xffff;
	[tilespmem:s23+$0xFFFFFF00] =	vst v18  }
.LBB2_17:
0x1c2: {  	p1 =	slt.u32 s31, $0x3C;
	v18 =	vadd.s32 s29, v1;
	v19 =	vld.idx.msk [tilespmem:v14+s3+$0x0], $0xffff;
	[tilespmem:s23+$0xFFFFFF80] =	vst v15;
	v15 =	vmov v4  }
0x1c3: {  	v21 =	vadd.s32 s21, v0;
	s21 =	smov.u32 s26;
	v20 =	vld.idx.msk [tilespmem:v12+s3+$0x0], $0xffff;
	[tilespmem:s23+$0xFFFFFE80] =	vst v16;
	v16 =	vmov v5;
	s23 =	smov.u32 s24  }
0x1c4: {  	v22 =	vadd.s32 s22, v0;
	s22 =	smov.u32 s28;
	s24 =	sadd.s32 $0x200, s24;
	v4 =	vld.idx.msk [tilespmem:v11+s3+$0x0], $0xffff;
	[tilespmem:s23+$0x0] =	vst v9  }
.Ltmp7:
0x1c5: {  	s26 =	sadd.s32 $0x1, s31;
	v14 =	vadd.s32 s20, v3;
	s20 =	smov.u32 s25;
	v5 =	vld.idx.msk [tilespmem:v10+s3+$0x0], $0xffff;
	[tilespmem:s24+$0xFFFFFFF0] =	vst v13;
	(pc) =	sbr.rel @p1 .LBB2_17-.Ltmp7, $4  }
0x1c6: {  	s28 =	sadd.s32 $0x2, s31;
	s25 =	smov.u32 s30;
	s30 =	smov.u32 s31;
	v12 =	vadd.s32 s26, v1;
	[tilespmem:s24+$0xFFFFFEF0] =	vst v6;
	v9 =	vld.idx.msk [tilespmem:v17+s3+$0x0], $0xffff;
	v6 =	vmov v7  }
0x1c7: {  	v11 =	vadd.s32 s28, v1;
	v13 =	vld.idx.msk [tilespmem:v18+s3+$0x0], $0xffff;
	[tilespmem:s24+$0xFFFFFF70] =	vst v15;
	v15 =	vmov v8  }
0x1c8: {  	v10 =	vadd.s32 s25, v2;
	[tilespmem:s24+$0xFFFFFE70] =	vst v16;
	v7 =	vld.idx.msk [tilespmem:v21+s3+$0x0], $0xffff;
	v16 =	vmov v19  }
0x1c9: {  	s31 =	sadd.s32 $0x4, s31;
	v17 =	vadd.s32 s29, v0;
	s29 =	sadd.s32 $0x3, s30;
	v8 =	vld.idx.msk [tilespmem:v22+s3+$0x0], $0xffff;
	[tilespmem:s23+$0xFFFFFF00] =	vst v6;
	v6 =	vmov v20  }
0x1ca: {  	_ = 	snop  }
0x1cb: {  	[tilespmem:s23+$0xFFFFFF80] =	vst v15  }
0x1cc: {  	v1 =	vadd.s32 s29, v1;
	[tilespmem:s23+$0xFFFFFE80] =	vst v16;
	s0 =	sadd.s32 $0x200, s24  }
0x1cd: {  	[tilespmem:s0+$0xFFFFFEF0] =	vst v6  }
0x1ce: {  	v2 =	vld.idx.msk [tilespmem:v14+s3+$0x0], $0xffff;
	[tilespmem:s0+$0xFFFFFF70] =	vst v4  }
0x1cf: {  	[tilespmem:s0+$0xFFFFFE70] =	vst v5;
	v5 =	vld.idx.msk [tilespmem:v12+s3+$0x0], $0xffff  }
0x1d0: {  	v6 =	vadd.s32 s21, v0;
	[tilespmem:s24+$0xFFFFFF00] =	vst v7;
	v7 =	vld.idx.msk [tilespmem:v11+s3+$0x0], $0xffff  }
0x1d1: {  	v4 =	vadd.s32 s22, v0;
	[tilespmem:s0+$0xFFFFFFF0] =	vst v13;
	v1 =	vld.idx.msk [tilespmem:v1+s3+$0x0], $0xffff  }
0x1d2: {  	[tilespmem:s24+$0xFFFFFF80] =	vst v8;
	v8 =	vld.idx.msk [tilespmem:v10+s3+$0x0], $0xffff;
	v10 =	vadd.s32 s26, v0  }
0x1d3: {  	[tilespmem:s24+$0x0] =	vst v9;
	v9 =	vld.idx.msk [tilespmem:v17+s3+$0x0], $0xffff;
	v11 =	vadd.s32 s29, v0;
	v0 =	vadd.s32 s28, v0  }
0x1d4: {  	v12 =	vadd.s32 s20, v3;
	[tilespmem:s24+$0xFFFFFE80] =	vst v2;
	s24 =	sadd.s32 $0x200, s0  }
0x1d5: {  	v2 =	vld.idx.msk [tilespmem:v6+s3+$0x0], $0xffff;
	[tilespmem:s24+$0xFFFFFEF0] =	vst v5  }
0x1d6: {  	v4 =	vld.idx.msk [tilespmem:v4+s3+$0x0], $0xffff;
	[tilespmem:s24+$0xFFFFFFF0] =	vst v1;
	v1 =	vadd.s32 s25, v3  }
0x1d7: {  	[tilespmem:s24+$0xFFFFFF70] =	vst v7;
	v6 =	vld.idx.msk [tilespmem:v10+s3+$0x0], $0xffff  }
0x1d8: {  	[tilespmem:s0+$0x0] =	vst v9;
	v0 =	vld.idx.msk [tilespmem:v0+s3+$0x0], $0xffff  }
0x1d9: {  	[tilespmem:s24+$0xFFFFFE70] =	vst v8;
	v3 =	vld.idx.msk [tilespmem:v12+s3+$0x0], $0xffff  }
0x1da: {  	v5 =	vld.idx.msk [tilespmem:v11+s3+$0x0], $0xffff;
	[tilespmem:s0+$0xFFFFFF00] =	vst v2  }
0x1db: {  	[tilespmem:s0+$0xFFFFFF80] =	vst v4;
	v1 =	vld.idx.msk [tilespmem:v1+s3+$0x0], $0xffff  }
0x1dc: {  	[tilespmem:s24+$0xFFFFFF00] =	vst v6  }
0x1dd: {  	s25 =	sshll.u32 s17, $0x14;
	[tilespmem:s24+$0xFFFFFF80] =	vst v0  }
0x1de: {  	[tilespmem:s0+$0xFFFFFE80] =	vst v3;
	s0 =	sor.u32 s4, s25  }
0x1df: {  	[tilespmem:s24+$0x0] =	vst v5;
	s0 =	sshrl.u32 s0, $0x3  }
0x1e0: {  	s0 =	sadd.s32 s2, s0;
	[tilespmem:s24+$0xFFFFFE80] =	vst v1  }
0x1e1: {  	[hbm4b:s0+s9] =	stream.strided.scatter [tilespmem:s12], [sflag:$0x1], $0x4000, s10, s9, $0x38;
	[tilespmem:$0x1FD80] =	vst v63  }
0x1e2: {  	s0 =	simm.s32 @!p0 $0x2  }
0x1e3: {  	_ =	swait.ge @!p0 [sflag:s0], $0x4000  }
0x1e4: {  	s26 =	sshll.u32 s18, $0x7;
	[sflag:s0] =	ssyncset.done @!p0 $0x0  }
0x1e5: {  	s20 =	sand.u32 $0x3FFFFF80, s26;
	[sflag:s0] =	ssyncadd.s32 @!p0 $0xFFFFC000  }
0x1e6: {  	v0 =	vld [tilespmem:s20+$0x11980];
	_ =	sdelay $0x4  }
0x1e7: {  	v1 =	vmul.u32 $0x48, v0  }
0x1e8: {  	s1 =	simm.s32 $0x1  }
0x1e9: {  	s22 =	simm.s32 $0x3;
	v3 =	vadd.s32 s1, v1  }
0x1ea: {  	s23 =	simm.s32 $0x2;
	v0 =	vld [tilespmem:s20+$0x11990];
	v4 =	vadd.s32 s22, v1  }
0x1eb: {  	s25 =	simm.s32 $0x5;
	v5 =	vadd.s32 s23, v1  }
0x1ec: {  	s26 =	simm.s32 $0x6;
	v6 =	vadd.s32 s25, v1  }
0x1ed: {  	s28 =	simm.s32 $0x7;
	v7 =	vadd.s32 s26, v1;
	v10 =	vld.idx.msk [tilespmem:v1+s3+$0x0], $0xffff  }
0x1ee: {  	s29 =	simm.s32 $0x0;
	v2 =	vor.u32 $0x4, v1;
	v11 =	vadd.s32 s28, v1;
	v3 =	vld.idx.msk [tilespmem:v3+s3+$0x0], $0xffff  }
0x1ef: {  	v8 =	vadd.s32 s29, v2;
	v0 =	vmul.u32 $0x48, v0;
	v4 =	vld.idx.msk [tilespmem:v4+s3+$0x0], $0xffff  }
0x1f0: {  	v5 =	vld.idx.msk [tilespmem:v5+s3+$0x0], $0xffff  }
0x1f1: {  	v9 =	vadd.s32 s22, v0;
	v12 =	vld.idx.msk [tilespmem:v6+s3+$0x0], $0xffff  }
0x1f2: {  	s24 =	simm.s32 $0x1BE80;
	v6 =	vadd.s32 s1, v0;
	v7 =	vld.idx.msk [tilespmem:v7+s3+$0x0], $0xffff  }
0x1f3: {  	v13 =	vadd.s32 s23, v0;
	s22 =	simm.s32 $0x9;
	v11 =	vld.idx.msk [tilespmem:v11+s3+$0x0], $0xffff;
	[tilespmem:s24+$0xFFFFFF00] =	vst v10  }
0x1f4: {  	s23 =	simm.s32 $0xA;
	v8 =	vld.idx.msk [tilespmem:v8+s3+$0x0], $0xffff;
	[tilespmem:s24+$0x80] =	vst v4;
	v4 =	vadd.s32 s22, v1  }
0x1f5: {  	[tilespmem:s24+$0xFFFFFF80] =	vst v3;
	v3 =	vadd.s32 s23, v1;
	v16 =	vld.idx.msk [tilespmem:v0+s3+$0x0], $0xffff  }
0x1f6: {  	s21 =	simm.s32 $0x4;
	v17 =	vadd.s32 s25, v0;
	v9 =	vld.idx.msk [tilespmem:v9+s3+$0x0], $0xffff  }
0x1f7: {  	[tilespmem:s24+$0x0] =	vst v5;
	v5 =	vadd.s32 s21, v2;
	v18 =	vld.idx.msk [tilespmem:v6+s3+$0x0], $0xffff  }
0x1f8: {  	s1 =	simm.s32 $0xB;
	v10 =	vadd.s32 s28, v0;
	v15 =	vld.idx.msk [tilespmem:v13+s3+$0x0], $0xffff  }
0x1f9: {  	s25 =	simm.s32 $0x1C080;
	v13 =	vadd.s32 s1, v1;
	v6 =	vld.idx.msk [tilespmem:v4+s3+$0x0], $0xffff  }
0x1fa: {  	v19 =	vadd.s32 s26, v0;
	[tilespmem:s25+$0xFFFFFF80] =	vst v12;
	v4 =	vld.idx.msk [tilespmem:v3+s3+$0x0], $0xffff;
	v3 =	vor.u32 $0x4, v0  }
0x1fb: {  	s28 =	simm.s32 $0xD;
	[tilespmem:s25+$0x0] =	vst v7;
	v7 =	vld.idx.msk [tilespmem:v17+s3+$0x0], $0xffff;
	v14 =	vadd.s32 s29, v3  }
0x1fc: {  	[tilespmem:s25+$0x80] =	vst v11;
	v12 =	vadd.s32 s28, v1;
	v5 =	vld.idx.msk [tilespmem:v5+s3+$0x0], $0xffff;
	s29 =	simm.s32 $0xE  }
0x1fd: {  	s26 =	simm.s32 $0x8;
	[tilespmem:s24+$0x90] =	vst v9;
	v9 =	vld.idx.msk [tilespmem:v10+s3+$0x0], $0xffff;
	v11 =	vadd.s32 s29, v1  }
0x1fe: {  	[tilespmem:s25+$0xFFFFFF00] =	vst v8;
	v13 =	vld.idx.msk [tilespmem:v13+s3+$0x0], $0xffff;
	v10 =	vadd.s32 s26, v2  }
0x1ff: {  	s31 =	simm.s32 $0xC;
	s30 =	simm.s32 $0xF;
	s0 =	simm.s32 $0x10;
	v17 =	vadd.s32 s1, v0;
	v8 =	vld.idx.msk [tilespmem:v19+s3+$0x0], $0xffff;
	[tilespmem:s24+$0xFFFFFF90] =	vst v18  }
.LBB2_19:
0x200: {  	p0 =	slt.u32 s0, $0x3C;
	v18 =	vadd.s32 s30, v1;
	v19 =	vld.idx.msk [tilespmem:v14+s3+$0x0], $0xffff;
	[tilespmem:s24+$0x10] =	vst v15;
	v15 =	vmov v4  }
0x201: {  	v21 =	vadd.s32 s22, v0;
	s22 =	smov.u32 s28;
	v20 =	vld.idx.msk [tilespmem:v12+s3+$0x0], $0xffff;
	[tilespmem:s24+$0xFFFFFF10] =	vst v16;
	v16 =	vmov v5;
	s24 =	smov.u32 s25  }
0x202: {  	v22 =	vadd.s32 s23, v0;
	s23 =	smov.u32 s29;
	s25 =	sadd.s32 $0x200, s25;
	v4 =	vld.idx.msk [tilespmem:v11+s3+$0x0], $0xffff;
	[tilespmem:s24+$0x90] =	vst v9  }
.Ltmp8:
0x203: {  	s28 =	sadd.s32 $0x1, s0;
	v14 =	vadd.s32 s21, v3;
	s21 =	smov.u32 s26;
	v5 =	vld.idx.msk [tilespmem:v10+s3+$0x0], $0xffff;
	[tilespmem:s25+$0x80] =	vst v13;
	(pc) =	sbr.rel @p0 .LBB2_19-.Ltmp8, $4  }
0x204: {  	s29 =	sadd.s32 $0x2, s0;
	s26 =	smov.u32 s31;
	s31 =	smov.u32 s0;
	v12 =	vadd.s32 s28, v1;
	[tilespmem:s25+$0xFFFFFF80] =	vst v6;
	v9 =	vld.idx.msk [tilespmem:v17+s3+$0x0], $0xffff;
	v6 =	vmov v7  }
0x205: {  	v11 =	vadd.s32 s29, v1;
	v13 =	vld.idx.msk [tilespmem:v18+s3+$0x0], $0xffff;
	[tilespmem:s25+$0x0] =	vst v15;
	v15 =	vmov v8  }
0x206: {  	v10 =	vadd.s32 s26, v2;
	[tilespmem:s25+$0xFFFFFF00] =	vst v16;
	v7 =	vld.idx.msk [tilespmem:v21+s3+$0x0], $0xffff;
	v16 =	vmov v19  }
0x207: {  	s0 =	sadd.s32 $0x4, s0;
	v17 =	vadd.s32 s30, v0;
	s30 =	sadd.s32 $0x3, s31;
	v8 =	vld.idx.msk [tilespmem:v22+s3+$0x0], $0xffff;
	[tilespmem:s24+$0xFFFFFF90] =	vst v6;
	v6 =	vmov v20  }
0x208: {  	_ = 	snop  }
0x209: {  	[tilespmem:s24+$0x10] =	vst v15  }
0x20a: {  	v1 =	vadd.s32 s30, v1;
	[tilespmem:s24+$0xFFFFFF10] =	vst v16;
	s0 =	sadd.s32 $0x200, s25  }
0x20b: {  	[tilespmem:s0+$0xFFFFFF80] =	vst v6  }
0x20c: {  	v2 =	vld.idx.msk [tilespmem:v14+s3+$0x0], $0xffff;
	[tilespmem:s0+$0x0] =	vst v4  }
0x20d: {  	[tilespmem:s0+$0xFFFFFF00] =	vst v5;
	v5 =	vld.idx.msk [tilespmem:v12+s3+$0x0], $0xffff  }
0x20e: {  	v6 =	vadd.s32 s22, v0;
	[tilespmem:s25+$0xFFFFFF90] =	vst v7;
	v7 =	vld.idx.msk [tilespmem:v11+s3+$0x0], $0xffff  }
0x20f: {  	v4 =	vadd.s32 s23, v0;
	[tilespmem:s0+$0x80] =	vst v13;
	v1 =	vld.idx.msk [tilespmem:v1+s3+$0x0], $0xffff  }
0x210: {  	[tilespmem:s25+$0x10] =	vst v8;
	v8 =	vld.idx.msk [tilespmem:v10+s3+$0x0], $0xffff;
	v10 =	vadd.s32 s28, v0  }
0x211: {  	[tilespmem:s25+$0x90] =	vst v9;
	v9 =	vld.idx.msk [tilespmem:v17+s3+$0x0], $0xffff;
	v11 =	vadd.s32 s30, v0;
	v0 =	vadd.s32 s29, v0  }
0x212: {  	v12 =	vadd.s32 s21, v3;
	s1 =	sadd.s32 $0x200, s0;
	[tilespmem:s25+$0xFFFFFF10] =	vst v2  }
0x213: {  	v2 =	vld.idx.msk [tilespmem:v6+s3+$0x0], $0xffff;
	[tilespmem:s1+$0xFFFFFF80] =	vst v5  }
0x214: {  	v4 =	vld.idx.msk [tilespmem:v4+s3+$0x0], $0xffff;
	[tilespmem:s1+$0x80] =	vst v1;
	v1 =	vadd.s32 s26, v3  }
0x215: {  	[tilespmem:s1+$0x0] =	vst v7;
	v6 =	vld.idx.msk [tilespmem:v10+s3+$0x0], $0xffff  }
0x216: {  	[tilespmem:s0+$0x90] =	vst v9;
	v0 =	vld.idx.msk [tilespmem:v0+s3+$0x0], $0xffff  }
0x217: {  	[tilespmem:s1+$0xFFFFFF00] =	vst v8;
	v3 =	vld.idx.msk [tilespmem:v12+s3+$0x0], $0xffff  }
0x218: {  	v5 =	vld.idx.msk [tilespmem:v11+s3+$0x0], $0xffff;
	[tilespmem:s0+$0xFFFFFF90] =	vst v2  }
0x219: {  	[tilespmem:s0+$0x10] =	vst v4;
	v1 =	vld.idx.msk [tilespmem:v1+s3+$0x0], $0xffff  }
0x21a: {  	[tilespmem:s1+$0xFFFFFF90] =	vst v6  }
0x21b: {  	[tilespmem:s1+$0x10] =	vst v0  }
0x21c: {  	[tilespmem:s0+$0xFFFFFF10] =	vst v3  }
0x21d: {  	[tilespmem:s1+$0x90] =	vst v5  }
0x21e: {  	[tilespmem:s1+$0xFFFFFF10] =	vst v1  }
0x21f: {  	v0 =	vld [tilespmem:s20+$0x119A0];
	_ =	sdelay $0x4  }
0x220: {  	v1 =	vmul.u32 $0x48, v0  }
0x221: {  	s21 =	simm.s32 $0x1  }
0x222: {  	s22 =	simm.s32 $0x3;
	v3 =	vadd.s32 s21, v1  }
0x223: {  	s23 =	simm.s32 $0x2;
	v0 =	vld [tilespmem:s20+$0x119B0];
	v4 =	vadd.s32 s22, v1  }
0x224: {  	s25 =	simm.s32 $0x5;
	v5 =	vadd.s32 s23, v1  }
0x225: {  	s26 =	simm.s32 $0x6;
	v6 =	vadd.s32 s25, v1  }
0x226: {  	s28 =	simm.s32 $0x7;
	v7 =	vadd.s32 s26, v1;
	v10 =	vld.idx.msk [tilespmem:v1+s3+$0x0], $0xffff  }
0x227: {  	s29 =	simm.s32 $0x0;
	v2 =	vor.u32 $0x4, v1;
	v11 =	vadd.s32 s28, v1;
	v3 =	vld.idx.msk [tilespmem:v3+s3+$0x0], $0xffff  }
0x228: {  	v8 =	vadd.s32 s29, v2;
	v0 =	vmul.u32 $0x48, v0;
	v4 =	vld.idx.msk [tilespmem:v4+s3+$0x0], $0xffff  }
0x229: {  	v5 =	vld.idx.msk [tilespmem:v5+s3+$0x0], $0xffff  }
0x22a: {  	v9 =	vadd.s32 s22, v0;
	v12 =	vld.idx.msk [tilespmem:v6+s3+$0x0], $0xffff  }
0x22b: {  	s24 =	simm.s32 $0x1BEA0;
	v6 =	vadd.s32 s21, v0;
	v7 =	vld.idx.msk [tilespmem:v7+s3+$0x0], $0xffff  }
0x22c: {  	v13 =	vadd.s32 s23, v0;
	s22 =	simm.s32 $0x9;
	v11 =	vld.idx.msk [tilespmem:v11+s3+$0x0], $0xffff;
	[tilespmem:s24+$0xFFFFFF00] =	vst v10  }
0x22d: {  	s23 =	simm.s32 $0xA;
	v8 =	vld.idx.msk [tilespmem:v8+s3+$0x0], $0xffff;
	[tilespmem:s24+$0x80] =	vst v4;
	v4 =	vadd.s32 s22, v1  }
0x22e: {  	[tilespmem:s24+$0xFFFFFF80] =	vst v3;
	v3 =	vadd.s32 s23, v1;
	v16 =	vld.idx.msk [tilespmem:v0+s3+$0x0], $0xffff  }
0x22f: {  	s21 =	simm.s32 $0x4;
	v17 =	vadd.s32 s25, v0;
	v9 =	vld.idx.msk [tilespmem:v9+s3+$0x0], $0xffff  }
0x230: {  	[tilespmem:s24+$0x0] =	vst v5;
	v5 =	vadd.s32 s21, v2;
	v18 =	vld.idx.msk [tilespmem:v6+s3+$0x0], $0xffff  }
0x231: {  	s1 =	simm.s32 $0xB;
	v10 =	vadd.s32 s28, v0;
	v15 =	vld.idx.msk [tilespmem:v13+s3+$0x0], $0xffff  }
0x232: {  	s25 =	simm.s32 $0x1C0A0;
	v13 =	vadd.s32 s1, v1;
	v6 =	vld.idx.msk [tilespmem:v4+s3+$0x0], $0xffff  }
0x233: {  	v19 =	vadd.s32 s26, v0;
	[tilespmem:s25+$0xFFFFFF80] =	vst v12;
	v4 =	vld.idx.msk [tilespmem:v3+s3+$0x0], $0xffff;
	v3 =	vor.u32 $0x4, v0  }
0x234: {  	s28 =	simm.s32 $0xD;
	[tilespmem:s25+$0x0] =	vst v7;
	v7 =	vld.idx.msk [tilespmem:v17+s3+$0x0], $0xffff;
	v14 =	vadd.s32 s29, v3  }
0x235: {  	[tilespmem:s25+$0x80] =	vst v11;
	v12 =	vadd.s32 s28, v1;
	v5 =	vld.idx.msk [tilespmem:v5+s3+$0x0], $0xffff;
	s29 =	simm.s32 $0xE  }
0x236: {  	s26 =	simm.s32 $0x8;
	[tilespmem:s24+$0x90] =	vst v9;
	v9 =	vld.idx.msk [tilespmem:v10+s3+$0x0], $0xffff;
	v11 =	vadd.s32 s29, v1  }
0x237: {  	[tilespmem:s25+$0xFFFFFF00] =	vst v8;
	v13 =	vld.idx.msk [tilespmem:v13+s3+$0x0], $0xffff;
	v10 =	vadd.s32 s26, v2  }
0x238: {  	s31 =	simm.s32 $0xC;
	s30 =	simm.s32 $0xF;
	s0 =	simm.s32 $0x10;
	v17 =	vadd.s32 s1, v0;
	v8 =	vld.idx.msk [tilespmem:v19+s3+$0x0], $0xffff;
	[tilespmem:s24+$0xFFFFFF90] =	vst v18  }
.LBB2_21:
0x239: {  	p0 =	slt.u32 s0, $0x3C;
	v18 =	vadd.s32 s30, v1;
	v19 =	vld.idx.msk [tilespmem:v14+s3+$0x0], $0xffff;
	[tilespmem:s24+$0x10] =	vst v15;
	v15 =	vmov v4  }
0x23a: {  	v21 =	vadd.s32 s22, v0;
	s22 =	smov.u32 s28;
	v20 =	vld.idx.msk [tilespmem:v12+s3+$0x0], $0xffff;
	[tilespmem:s24+$0xFFFFFF10] =	vst v16;
	v16 =	vmov v5;
	s24 =	smov.u32 s25  }
0x23b: {  	v22 =	vadd.s32 s23, v0;
	s23 =	smov.u32 s29;
	s25 =	sadd.s32 $0x200, s25;
	v4 =	vld.idx.msk [tilespmem:v11+s3+$0x0], $0xffff;
	[tilespmem:s24+$0x90] =	vst v9  }
.Ltmp9:
0x23c: {  	s28 =	sadd.s32 $0x1, s0;
	v14 =	vadd.s32 s21, v3;
	s21 =	smov.u32 s26;
	v5 =	vld.idx.msk [tilespmem:v10+s3+$0x0], $0xffff;
	[tilespmem:s25+$0x80] =	vst v13;
	(pc) =	sbr.rel @p0 .LBB2_21-.Ltmp9, $4  }
0x23d: {  	s29 =	sadd.s32 $0x2, s0;
	s26 =	smov.u32 s31;
	s31 =	smov.u32 s0;
	v12 =	vadd.s32 s28, v1;
	[tilespmem:s25+$0xFFFFFF80] =	vst v6;
	v9 =	vld.idx.msk [tilespmem:v17+s3+$0x0], $0xffff;
	v6 =	vmov v7  }
0x23e: {  	v11 =	vadd.s32 s29, v1;
	v13 =	vld.idx.msk [tilespmem:v18+s3+$0x0], $0xffff;
	[tilespmem:s25+$0x0] =	vst v15;
	v15 =	vmov v8  }
0x23f: {  	v10 =	vadd.s32 s26, v2;
	[tilespmem:s25+$0xFFFFFF00] =	vst v16;
	v7 =	vld.idx.msk [tilespmem:v21+s3+$0x0], $0xffff;
	v16 =	vmov v19  }
0x240: {  	s0 =	sadd.s32 $0x4, s0;
	v17 =	vadd.s32 s30, v0;
	s30 =	sadd.s32 $0x3, s31;
	v8 =	vld.idx.msk [tilespmem:v22+s3+$0x0], $0xffff;
	[tilespmem:s24+$0xFFFFFF90] =	vst v6;
	v6 =	vmov v20  }
0x241: {  	_ = 	snop  }
0x242: {  	[tilespmem:s24+$0x10] =	vst v15  }
0x243: {  	v1 =	vadd.s32 s30, v1;
	[tilespmem:s24+$0xFFFFFF10] =	vst v16;
	s0 =	sadd.s32 $0x200, s25  }
0x244: {  	[tilespmem:s0+$0xFFFFFF80] =	vst v6  }
0x245: {  	v2 =	vld.idx.msk [tilespmem:v14+s3+$0x0], $0xffff;
	[tilespmem:s0+$0x0] =	vst v4  }
0x246: {  	[tilespmem:s0+$0xFFFFFF00] =	vst v5;
	v5 =	vld.idx.msk [tilespmem:v12+s3+$0x0], $0xffff  }
0x247: {  	v6 =	vadd.s32 s22, v0;
	[tilespmem:s25+$0xFFFFFF90] =	vst v7;
	v7 =	vld.idx.msk [tilespmem:v11+s3+$0x0], $0xffff  }
0x248: {  	v4 =	vadd.s32 s23, v0;
	[tilespmem:s0+$0x80] =	vst v13;
	v1 =	vld.idx.msk [tilespmem:v1+s3+$0x0], $0xffff  }
0x249: {  	[tilespmem:s25+$0x10] =	vst v8;
	v8 =	vld.idx.msk [tilespmem:v10+s3+$0x0], $0xffff;
	v10 =	vadd.s32 s28, v0  }
0x24a: {  	[tilespmem:s25+$0x90] =	vst v9;
	v9 =	vld.idx.msk [tilespmem:v17+s3+$0x0], $0xffff;
	v11 =	vadd.s32 s30, v0;
	v0 =	vadd.s32 s29, v0  }
0x24b: {  	v12 =	vadd.s32 s21, v3;
	s1 =	sadd.s32 $0x200, s0;
	[tilespmem:s25+$0xFFFFFF10] =	vst v2  }
0x24c: {  	v2 =	vld.idx.msk [tilespmem:v6+s3+$0x0], $0xffff;
	[tilespmem:s1+$0xFFFFFF80] =	vst v5  }
0x24d: {  	v4 =	vld.idx.msk [tilespmem:v4+s3+$0x0], $0xffff;
	[tilespmem:s1+$0x80] =	vst v1;
	v1 =	vadd.s32 s26, v3  }
0x24e: {  	[tilespmem:s1+$0x0] =	vst v7;
	v6 =	vld.idx.msk [tilespmem:v10+s3+$0x0], $0xffff  }
0x24f: {  	[tilespmem:s0+$0x90] =	vst v9;
	v0 =	vld.idx.msk [tilespmem:v0+s3+$0x0], $0xffff  }
0x250: {  	[tilespmem:s1+$0xFFFFFF00] =	vst v8;
	v3 =	vld.idx.msk [tilespmem:v12+s3+$0x0], $0xffff  }
0x251: {  	v5 =	vld.idx.msk [tilespmem:v11+s3+$0x0], $0xffff;
	[tilespmem:s0+$0xFFFFFF90] =	vst v2  }
0x252: {  	[tilespmem:s0+$0x10] =	vst v4;
	v1 =	vld.idx.msk [tilespmem:v1+s3+$0x0], $0xffff  }
0x253: {  	[tilespmem:s1+$0xFFFFFF90] =	vst v6  }
0x254: {  	[tilespmem:s1+$0x10] =	vst v0  }
0x255: {  	[tilespmem:s0+$0xFFFFFF10] =	vst v3  }
0x256: {  	[tilespmem:s1+$0x90] =	vst v5  }
0x257: {  	[tilespmem:s1+$0xFFFFFF10] =	vst v1  }
0x258: {  	v0 =	vld [tilespmem:s20+$0x119C0];
	_ =	sdelay $0x4  }
0x259: {  	v1 =	vmul.u32 $0x48, v0  }
0x25a: {  	s21 =	simm.s32 $0x1  }
0x25b: {  	s22 =	simm.s32 $0x3;
	v3 =	vadd.s32 s21, v1  }
0x25c: {  	s23 =	simm.s32 $0x2;
	v0 =	vld [tilespmem:s20+$0x119D0];
	v4 =	vadd.s32 s22, v1  }
0x25d: {  	s25 =	simm.s32 $0x5;
	v5 =	vadd.s32 s23, v1  }
0x25e: {  	s26 =	simm.s32 $0x6;
	v6 =	vadd.s32 s25, v1  }
0x25f: {  	s28 =	simm.s32 $0x7;
	v7 =	vadd.s32 s26, v1;
	v10 =	vld.idx.msk [tilespmem:v1+s3+$0x0], $0xffff  }
0x260: {  	s29 =	simm.s32 $0x0;
	v2 =	vor.u32 $0x4, v1;
	v11 =	vadd.s32 s28, v1;
	v3 =	vld.idx.msk [tilespmem:v3+s3+$0x0], $0xffff  }
0x261: {  	v8 =	vadd.s32 s29, v2;
	v0 =	vmul.u32 $0x48, v0;
	v4 =	vld.idx.msk [tilespmem:v4+s3+$0x0], $0xffff  }
0x262: {  	v5 =	vld.idx.msk [tilespmem:v5+s3+$0x0], $0xffff  }
0x263: {  	v9 =	vadd.s32 s22, v0;
	v12 =	vld.idx.msk [tilespmem:v6+s3+$0x0], $0xffff  }
0x264: {  	s24 =	simm.s32 $0x1BEC0;
	v6 =	vadd.s32 s21, v0;
	v7 =	vld.idx.msk [tilespmem:v7+s3+$0x0], $0xffff  }
0x265: {  	v13 =	vadd.s32 s23, v0;
	s22 =	simm.s32 $0x9;
	v11 =	vld.idx.msk [tilespmem:v11+s3+$0x0], $0xffff;
	[tilespmem:s24+$0xFFFFFF00] =	vst v10  }
0x266: {  	s23 =	simm.s32 $0xA;
	v8 =	vld.idx.msk [tilespmem:v8+s3+$0x0], $0xffff;
	[tilespmem:s24+$0x80] =	vst v4;
	v4 =	vadd.s32 s22, v1  }
0x267: {  	[tilespmem:s24+$0xFFFFFF80] =	vst v3;
	v3 =	vadd.s32 s23, v1;
	v16 =	vld.idx.msk [tilespmem:v0+s3+$0x0], $0xffff  }
0x268: {  	s21 =	simm.s32 $0x4;
	v17 =	vadd.s32 s25, v0;
	v9 =	vld.idx.msk [tilespmem:v9+s3+$0x0], $0xffff  }
0x269: {  	[tilespmem:s24+$0x0] =	vst v5;
	v5 =	vadd.s32 s21, v2;
	v18 =	vld.idx.msk [tilespmem:v6+s3+$0x0], $0xffff  }
0x26a: {  	s1 =	simm.s32 $0xB;
	v10 =	vadd.s32 s28, v0;
	v15 =	vld.idx.msk [tilespmem:v13+s3+$0x0], $0xffff  }
0x26b: {  	s25 =	simm.s32 $0x1C0C0;
	v13 =	vadd.s32 s1, v1;
	v6 =	vld.idx.msk [tilespmem:v4+s3+$0x0], $0xffff  }
0x26c: {  	v19 =	vadd.s32 s26, v0;
	[tilespmem:s25+$0xFFFFFF80] =	vst v12;
	v4 =	vld.idx.msk [tilespmem:v3+s3+$0x0], $0xffff;
	v3 =	vor.u32 $0x4, v0  }
0x26d: {  	s28 =	simm.s32 $0xD;
	[tilespmem:s25+$0x0] =	vst v7;
	v7 =	vld.idx.msk [tilespmem:v17+s3+$0x0], $0xffff;
	v14 =	vadd.s32 s29, v3  }
0x26e: {  	[tilespmem:s25+$0x80] =	vst v11;
	v12 =	vadd.s32 s28, v1;
	v5 =	vld.idx.msk [tilespmem:v5+s3+$0x0], $0xffff;
	s29 =	simm.s32 $0xE  }
0x26f: {  	s26 =	simm.s32 $0x8;
	[tilespmem:s24+$0x90] =	vst v9;
	v9 =	vld.idx.msk [tilespmem:v10+s3+$0x0], $0xffff;
	v11 =	vadd.s32 s29, v1  }
0x270: {  	[tilespmem:s25+$0xFFFFFF00] =	vst v8;
	v13 =	vld.idx.msk [tilespmem:v13+s3+$0x0], $0xffff;
	v10 =	vadd.s32 s26, v2  }
0x271: {  	s31 =	simm.s32 $0xC;
	s30 =	simm.s32 $0xF;
	s0 =	simm.s32 $0x10;
	v17 =	vadd.s32 s1, v0;
	v8 =	vld.idx.msk [tilespmem:v19+s3+$0x0], $0xffff;
	[tilespmem:s24+$0xFFFFFF90] =	vst v18  }
.LBB2_23:
0x272: {  	p0 =	slt.u32 s0, $0x3C;
	v18 =	vadd.s32 s30, v1;
	v19 =	vld.idx.msk [tilespmem:v14+s3+$0x0], $0xffff;
	[tilespmem:s24+$0x10] =	vst v15;
	v15 =	vmov v4  }
0x273: {  	v21 =	vadd.s32 s22, v0;
	s22 =	smov.u32 s28;
	v20 =	vld.idx.msk [tilespmem:v12+s3+$0x0], $0xffff;
	[tilespmem:s24+$0xFFFFFF10] =	vst v16;
	v16 =	vmov v5;
	s24 =	smov.u32 s25  }
0x274: {  	v22 =	vadd.s32 s23, v0;
	s23 =	smov.u32 s29;
	s25 =	sadd.s32 $0x200, s25;
	v4 =	vld.idx.msk [tilespmem:v11+s3+$0x0], $0xffff;
	[tilespmem:s24+$0x90] =	vst v9  }
.Ltmp10:
0x275: {  	s28 =	sadd.s32 $0x1, s0;
	v14 =	vadd.s32 s21, v3;
	s21 =	smov.u32 s26;
	v5 =	vld.idx.msk [tilespmem:v10+s3+$0x0], $0xffff;
	[tilespmem:s25+$0x80] =	vst v13;
	(pc) =	sbr.rel @p0 .LBB2_23-.Ltmp10, $4  }
0x276: {  	s29 =	sadd.s32 $0x2, s0;
	s26 =	smov.u32 s31;
	s31 =	smov.u32 s0;
	v12 =	vadd.s32 s28, v1;
	[tilespmem:s25+$0xFFFFFF80] =	vst v6;
	v9 =	vld.idx.msk [tilespmem:v17+s3+$0x0], $0xffff;
	v6 =	vmov v7  }
0x277: {  	v11 =	vadd.s32 s29, v1;
	v13 =	vld.idx.msk [tilespmem:v18+s3+$0x0], $0xffff;
	[tilespmem:s25+$0x0] =	vst v15;
	v15 =	vmov v8  }
0x278: {  	v10 =	vadd.s32 s26, v2;
	[tilespmem:s25+$0xFFFFFF00] =	vst v16;
	v7 =	vld.idx.msk [tilespmem:v21+s3+$0x0], $0xffff;
	v16 =	vmov v19  }
0x279: {  	s0 =	sadd.s32 $0x4, s0;
	v17 =	vadd.s32 s30, v0;
	s30 =	sadd.s32 $0x3, s31;
	v8 =	vld.idx.msk [tilespmem:v22+s3+$0x0], $0xffff;
	[tilespmem:s24+$0xFFFFFF90] =	vst v6;
	v6 =	vmov v20  }
0x27a: {  	_ = 	snop  }
0x27b: {  	[tilespmem:s24+$0x10] =	vst v15  }
0x27c: {  	v1 =	vadd.s32 s30, v1;
	[tilespmem:s24+$0xFFFFFF10] =	vst v16;
	s0 =	sadd.s32 $0x200, s25  }
0x27d: {  	[tilespmem:s0+$0xFFFFFF80] =	vst v6  }
0x27e: {  	v2 =	vld.idx.msk [tilespmem:v14+s3+$0x0], $0xffff;
	[tilespmem:s0+$0x0] =	vst v4  }
0x27f: {  	[tilespmem:s0+$0xFFFFFF00] =	vst v5;
	v5 =	vld.idx.msk [tilespmem:v12+s3+$0x0], $0xffff  }
0x280: {  	v6 =	vadd.s32 s22, v0;
	[tilespmem:s25+$0xFFFFFF90] =	vst v7;
	v7 =	vld.idx.msk [tilespmem:v11+s3+$0x0], $0xffff  }
0x281: {  	v4 =	vadd.s32 s23, v0;
	[tilespmem:s0+$0x80] =	vst v13;
	v1 =	vld.idx.msk [tilespmem:v1+s3+$0x0], $0xffff  }
0x282: {  	[tilespmem:s25+$0x10] =	vst v8;
	v8 =	vld.idx.msk [tilespmem:v10+s3+$0x0], $0xffff;
	v10 =	vadd.s32 s28, v0  }
0x283: {  	[tilespmem:s25+$0x90] =	vst v9;
	v9 =	vld.idx.msk [tilespmem:v17+s3+$0x0], $0xffff;
	v11 =	vadd.s32 s30, v0;
	v0 =	vadd.s32 s29, v0  }
0x284: {  	v12 =	vadd.s32 s21, v3;
	s1 =	sadd.s32 $0x200, s0;
	[tilespmem:s25+$0xFFFFFF10] =	vst v2  }
0x285: {  	v2 =	vld.idx.msk [tilespmem:v6+s3+$0x0], $0xffff;
	[tilespmem:s1+$0xFFFFFF80] =	vst v5  }
0x286: {  	v4 =	vld.idx.msk [tilespmem:v4+s3+$0x0], $0xffff;
	[tilespmem:s1+$0x80] =	vst v1;
	v1 =	vadd.s32 s26, v3  }
0x287: {  	[tilespmem:s1+$0x0] =	vst v7;
	v6 =	vld.idx.msk [tilespmem:v10+s3+$0x0], $0xffff  }
0x288: {  	[tilespmem:s0+$0x90] =	vst v9;
	v0 =	vld.idx.msk [tilespmem:v0+s3+$0x0], $0xffff  }
0x289: {  	[tilespmem:s1+$0xFFFFFF00] =	vst v8;
	v3 =	vld.idx.msk [tilespmem:v12+s3+$0x0], $0xffff  }
0x28a: {  	v5 =	vld.idx.msk [tilespmem:v11+s3+$0x0], $0xffff;
	[tilespmem:s0+$0xFFFFFF90] =	vst v2  }
0x28b: {  	[tilespmem:s0+$0x10] =	vst v4;
	v1 =	vld.idx.msk [tilespmem:v1+s3+$0x0], $0xffff  }
0x28c: {  	[tilespmem:s1+$0xFFFFFF90] =	vst v6  }
0x28d: {  	[tilespmem:s1+$0x10] =	vst v0  }
0x28e: {  	[tilespmem:s0+$0xFFFFFF10] =	vst v3  }
0x28f: {  	[tilespmem:s1+$0x90] =	vst v5  }
0x290: {  	[tilespmem:s1+$0xFFFFFF10] =	vst v1  }
0x291: {  	v0 =	vld [tilespmem:s20+$0x119E0];
	_ =	sdelay $0x4  }
0x292: {  	v1 =	vmul.u32 $0x48, v0  }
0x293: {  	s31 =	simm.s32 $0x1  }
0x294: {  	s21 =	simm.s32 $0x3;
	v3 =	vadd.s32 s31, v1  }
0x295: {  	s22 =	simm.s32 $0x2;
	v0 =	vld [tilespmem:s20+$0x119F0];
	v4 =	vadd.s32 s21, v1  }
0x296: {  	s24 =	simm.s32 $0x5;
	v5 =	vadd.s32 s22, v1  }
0x297: {  	s25 =	simm.s32 $0x6;
	v6 =	vadd.s32 s24, v1  }
0x298: {  	s26 =	simm.s32 $0x7;
	v7 =	vadd.s32 s25, v1;
	v10 =	vld.idx.msk [tilespmem:v1+s3+$0x0], $0xffff  }
0x299: {  	s28 =	simm.s32 $0x0;
	v2 =	vor.u32 $0x4, v1;
	v11 =	vadd.s32 s26, v1;
	v3 =	vld.idx.msk [tilespmem:v3+s3+$0x0], $0xffff  }
0x29a: {  	v8 =	vadd.s32 s28, v2;
	v0 =	vmul.u32 $0x48, v0;
	v4 =	vld.idx.msk [tilespmem:v4+s3+$0x0], $0xffff  }
0x29b: {  	v5 =	vld.idx.msk [tilespmem:v5+s3+$0x0], $0xffff  }
0x29c: {  	v9 =	vadd.s32 s21, v0;
	v12 =	vld.idx.msk [tilespmem:v6+s3+$0x0], $0xffff  }
0x29d: {  	s23 =	simm.s32 $0x1BEE0;
	v6 =	vadd.s32 s31, v0;
	v7 =	vld.idx.msk [tilespmem:v7+s3+$0x0], $0xffff  }
0x29e: {  	v13 =	vadd.s32 s22, v0;
	s21 =	simm.s32 $0x9;
	v11 =	vld.idx.msk [tilespmem:v11+s3+$0x0], $0xffff;
	[tilespmem:s23+$0xFFFFFF00] =	vst v10  }
0x29f: {  	s22 =	simm.s32 $0xA;
	v8 =	vld.idx.msk [tilespmem:v8+s3+$0x0], $0xffff;
	[tilespmem:s23+$0x80] =	vst v4;
	v4 =	vadd.s32 s21, v1  }
0x2a0: {  	[tilespmem:s23+$0xFFFFFF80] =	vst v3;
	v3 =	vadd.s32 s22, v1;
	v16 =	vld.idx.msk [tilespmem:v0+s3+$0x0], $0xffff  }
0x2a1: {  	s20 =	simm.s32 $0x4;
	v17 =	vadd.s32 s24, v0;
	v9 =	vld.idx.msk [tilespmem:v9+s3+$0x0], $0xffff  }
0x2a2: {  	[tilespmem:s23+$0x0] =	vst v5;
	v5 =	vadd.s32 s20, v2;
	v18 =	vld.idx.msk [tilespmem:v6+s3+$0x0], $0xffff  }
0x2a3: {  	s31 =	simm.s32 $0xB;
	v10 =	vadd.s32 s26, v0;
	v15 =	vld.idx.msk [tilespmem:v13+s3+$0x0], $0xffff  }
0x2a4: {  	s24 =	simm.s32 $0x1C0E0;
	v13 =	vadd.s32 s31, v1;
	v6 =	vld.idx.msk [tilespmem:v4+s3+$0x0], $0xffff  }
0x2a5: {  	v19 =	vadd.s32 s25, v0;
	[tilespmem:s24+$0xFFFFFF80] =	vst v12;
	v4 =	vld.idx.msk [tilespmem:v3+s3+$0x0], $0xffff;
	v3 =	vor.u32 $0x4, v0  }
0x2a6: {  	s26 =	simm.s32 $0xD;
	[tilespmem:s24+$0x0] =	vst v7;
	v7 =	vld.idx.msk [tilespmem:v17+s3+$0x0], $0xffff;
	v14 =	vadd.s32 s28, v3  }
0x2a7: {  	[tilespmem:s24+$0x80] =	vst v11;
	v12 =	vadd.s32 s26, v1;
	v5 =	vld.idx.msk [tilespmem:v5+s3+$0x0], $0xffff;
	s28 =	simm.s32 $0xE  }
0x2a8: {  	s25 =	simm.s32 $0x8;
	[tilespmem:s23+$0x90] =	vst v9;
	v9 =	vld.idx.msk [tilespmem:v10+s3+$0x0], $0xffff;
	v11 =	vadd.s32 s28, v1  }
0x2a9: {  	[tilespmem:s24+$0xFFFFFF00] =	vst v8;
	v13 =	vld.idx.msk [tilespmem:v13+s3+$0x0], $0xffff;
	v10 =	vadd.s32 s25, v2  }
0x2aa: {  	s30 =	simm.s32 $0xC;
	s29 =	simm.s32 $0xF;
	s0 =	simm.s32 $0x10;
	v17 =	vadd.s32 s31, v0;
	v8 =	vld.idx.msk [tilespmem:v19+s3+$0x0], $0xffff;
	[tilespmem:s23+$0xFFFFFF90] =	vst v18  }
.LBB2_25:
0x2ab: {  	p0 =	slt.u32 s0, $0x3C;
	v18 =	vadd.s32 s29, v1;
	v19 =	vld.idx.msk [tilespmem:v14+s3+$0x0], $0xffff;
	[tilespmem:s23+$0x10] =	vst v15;
	v15 =	vmov v4  }
0x2ac: {  	v21 =	vadd.s32 s21, v0;
	s21 =	smov.u32 s26;
	v20 =	vld.idx.msk [tilespmem:v12+s3+$0x0], $0xffff;
	[tilespmem:s23+$0xFFFFFF10] =	vst v16;
	v16 =	vmov v5;
	s23 =	smov.u32 s24  }
0x2ad: {  	v22 =	vadd.s32 s22, v0;
	s22 =	smov.u32 s28;
	s24 =	sadd.s32 $0x200, s24;
	v4 =	vld.idx.msk [tilespmem:v11+s3+$0x0], $0xffff;
	[tilespmem:s23+$0x90] =	vst v9  }
.Ltmp11:
0x2ae: {  	s26 =	sadd.s32 $0x1, s0;
	v14 =	vadd.s32 s20, v3;
	s20 =	smov.u32 s25;
	v5 =	vld.idx.msk [tilespmem:v10+s3+$0x0], $0xffff;
	[tilespmem:s24+$0x80] =	vst v13;
	(pc) =	sbr.rel @p0 .LBB2_25-.Ltmp11, $4  }
0x2af: {  	s28 =	sadd.s32 $0x2, s0;
	s25 =	smov.u32 s30;
	s30 =	smov.u32 s0;
	v12 =	vadd.s32 s26, v1;
	[tilespmem:s24+$0xFFFFFF80] =	vst v6;
	v9 =	vld.idx.msk [tilespmem:v17+s3+$0x0], $0xffff;
	v6 =	vmov v7  }
0x2b0: {  	v11 =	vadd.s32 s28, v1;
	v13 =	vld.idx.msk [tilespmem:v18+s3+$0x0], $0xffff;
	[tilespmem:s24+$0x0] =	vst v15;
	v15 =	vmov v8  }
0x2b1: {  	v10 =	vadd.s32 s25, v2;
	[tilespmem:s24+$0xFFFFFF00] =	vst v16;
	v7 =	vld.idx.msk [tilespmem:v21+s3+$0x0], $0xffff;
	v16 =	vmov v19  }
0x2b2: {  	s0 =	sadd.s32 $0x4, s0;
	v17 =	vadd.s32 s29, v0;
	s29 =	sadd.s32 $0x3, s30;
	v8 =	vld.idx.msk [tilespmem:v22+s3+$0x0], $0xffff;
	[tilespmem:s23+$0xFFFFFF90] =	vst v6;
	v6 =	vmov v20  }
0x2b3: {  	_ = 	snop  }
0x2b4: {  	[tilespmem:s23+$0x10] =	vst v15  }
0x2b5: {  	v1 =	vadd.s32 s29, v1;
	[tilespmem:s23+$0xFFFFFF10] =	vst v16;
	s0 =	sadd.s32 $0x200, s24  }
0x2b6: {  	[tilespmem:s0+$0xFFFFFF80] =	vst v6  }
0x2b7: {  	v2 =	vld.idx.msk [tilespmem:v14+s3+$0x0], $0xffff;
	[tilespmem:s0+$0x0] =	vst v4  }
0x2b8: {  	[tilespmem:s0+$0xFFFFFF00] =	vst v5;
	v5 =	vld.idx.msk [tilespmem:v12+s3+$0x0], $0xffff  }
0x2b9: {  	v6 =	vadd.s32 s21, v0;
	[tilespmem:s24+$0xFFFFFF90] =	vst v7;
	v7 =	vld.idx.msk [tilespmem:v11+s3+$0x0], $0xffff  }
0x2ba: {  	v4 =	vadd.s32 s22, v0;
	[tilespmem:s0+$0x80] =	vst v13;
	v1 =	vld.idx.msk [tilespmem:v1+s3+$0x0], $0xffff  }
0x2bb: {  	[tilespmem:s24+$0x10] =	vst v8;
	v8 =	vld.idx.msk [tilespmem:v10+s3+$0x0], $0xffff;
	v10 =	vadd.s32 s26, v0  }
0x2bc: {  	[tilespmem:s24+$0x90] =	vst v9;
	v9 =	vld.idx.msk [tilespmem:v17+s3+$0x0], $0xffff;
	v11 =	vadd.s32 s29, v0;
	v0 =	vadd.s32 s28, v0  }
0x2bd: {  	v12 =	vadd.s32 s20, v3;
	s1 =	sadd.s32 $0x200, s0;
	[tilespmem:s24+$0xFFFFFF10] =	vst v2  }
0x2be: {  	v2 =	vld.idx.msk [tilespmem:v6+s3+$0x0], $0xffff;
	[tilespmem:s1+$0xFFFFFF80] =	vst v5  }
0x2bf: {  	v4 =	vld.idx.msk [tilespmem:v4+s3+$0x0], $0xffff;
	[tilespmem:s1+$0x80] =	vst v1;
	v1 =	vadd.s32 s25, v3  }
0x2c0: {  	[tilespmem:s1+$0x0] =	vst v7;
	v6 =	vld.idx.msk [tilespmem:v10+s3+$0x0], $0xffff  }
0x2c1: {  	[tilespmem:s0+$0x90] =	vst v9;
	v0 =	vld.idx.msk [tilespmem:v0+s3+$0x0], $0xffff  }
0x2c2: {  	[tilespmem:s1+$0xFFFFFF00] =	vst v8;
	v3 =	vld.idx.msk [tilespmem:v12+s3+$0x0], $0xffff  }
0x2c3: {  	v5 =	vld.idx.msk [tilespmem:v11+s3+$0x0], $0xffff;
	[tilespmem:s0+$0xFFFFFF90] =	vst v2  }
0x2c4: {  	[tilespmem:s0+$0x10] =	vst v4;
	v1 =	vld.idx.msk [tilespmem:v1+s3+$0x0], $0xffff  }
0x2c5: {  	[tilespmem:s1+$0xFFFFFF90] =	vst v6  }
0x2c6: {  	[tilespmem:s1+$0x10] =	vst v0  }
0x2c7: {  	[tilespmem:s0+$0xFFFFFF10] =	vst v3  }
0x2c8: {  	[tilespmem:s1+$0x90] =	vst v5  }
0x2c9: {  	[tilespmem:s1+$0xFFFFFF10] =	vst v1  }
0x2ca: {  	v0 =	vld [tilespmem:s19+$0x11B00];
	_ =	sdelay $0x4  }
0x2cb: {  	v1 =	vmul.u32 $0x48, v0  }
0x2cc: {  	s20 =	simm.s32 $0x1  }
0x2cd: {  	s21 =	simm.s32 $0x3;
	v3 =	vadd.s32 s20, v1  }
0x2ce: {  	s22 =	simm.s32 $0x2;
	v0 =	vld [tilespmem:s19+$0x11B10];
	v4 =	vadd.s32 s21, v1  }
0x2cf: {  	s24 =	simm.s32 $0x5;
	v5 =	vadd.s32 s22, v1  }
0x2d0: {  	s25 =	simm.s32 $0x6;
	v6 =	vadd.s32 s24, v1  }
0x2d1: {  	s26 =	simm.s32 $0x7;
	v7 =	vadd.s32 s25, v1;
	v10 =	vld.idx.msk [tilespmem:v1+s3+$0x0], $0xffff  }
0x2d2: {  	s28 =	simm.s32 $0x0;
	v2 =	vor.u32 $0x4, v1;
	v11 =	vadd.s32 s26, v1;
	v3 =	vld.idx.msk [tilespmem:v3+s3+$0x0], $0xffff  }
0x2d3: {  	v8 =	vadd.s32 s28, v2;
	v0 =	vmul.u32 $0x48, v0;
	v4 =	vld.idx.msk [tilespmem:v4+s3+$0x0], $0xffff  }
0x2d4: {  	v5 =	vld.idx.msk [tilespmem:v5+s3+$0x0], $0xffff  }
0x2d5: {  	v9 =	vadd.s32 s21, v0;
	v12 =	vld.idx.msk [tilespmem:v6+s3+$0x0], $0xffff  }
0x2d6: {  	s23 =	simm.s32 $0x1DF10;
	v6 =	vadd.s32 s20, v0;
	v7 =	vld.idx.msk [tilespmem:v7+s3+$0x0], $0xffff  }
0x2d7: {  	v13 =	vadd.s32 s22, v0;
	s21 =	simm.s32 $0x9;
	v11 =	vld.idx.msk [tilespmem:v11+s3+$0x0], $0xffff;
	[tilespmem:s23+$0xFFFFFE70] =	vst v10  }
0x2d8: {  	s22 =	simm.s32 $0xA;
	v8 =	vld.idx.msk [tilespmem:v8+s3+$0x0], $0xffff;
	[tilespmem:s23+$0xFFFFFFF0] =	vst v4;
	v4 =	vadd.s32 s21, v1  }
0x2d9: {  	[tilespmem:s23+$0xFFFFFEF0] =	vst v3;
	v3 =	vadd.s32 s22, v1;
	v16 =	vld.idx.msk [tilespmem:v0+s3+$0x0], $0xffff  }
0x2da: {  	s20 =	simm.s32 $0x4;
	v17 =	vadd.s32 s24, v0;
	v9 =	vld.idx.msk [tilespmem:v9+s3+$0x0], $0xffff  }
0x2db: {  	[tilespmem:s23+$0xFFFFFF70] =	vst v5;
	v5 =	vadd.s32 s20, v2;
	v18 =	vld.idx.msk [tilespmem:v6+s3+$0x0], $0xffff  }
0x2dc: {  	s31 =	simm.s32 $0xB;
	v10 =	vadd.s32 s26, v0;
	v15 =	vld.idx.msk [tilespmem:v13+s3+$0x0], $0xffff  }
0x2dd: {  	s24 =	simm.s32 $0x1E110;
	v13 =	vadd.s32 s31, v1;
	v6 =	vld.idx.msk [tilespmem:v4+s3+$0x0], $0xffff  }
0x2de: {  	v19 =	vadd.s32 s25, v0;
	[tilespmem:s24+$0xFFFFFEF0] =	vst v12;
	v4 =	vld.idx.msk [tilespmem:v3+s3+$0x0], $0xffff;
	v3 =	vor.u32 $0x4, v0  }
0x2df: {  	s26 =	simm.s32 $0xD;
	[tilespmem:s24+$0xFFFFFF70] =	vst v7;
	v7 =	vld.idx.msk [tilespmem:v17+s3+$0x0], $0xffff;
	v14 =	vadd.s32 s28, v3  }
0x2e0: {  	[tilespmem:s24+$0xFFFFFFF0] =	vst v11;
	v12 =	vadd.s32 s26, v1;
	v5 =	vld.idx.msk [tilespmem:v5+s3+$0x0], $0xffff;
	s28 =	simm.s32 $0xE  }
0x2e1: {  	s25 =	simm.s32 $0x8;
	[tilespmem:s23+$0x0] =	vst v9;
	v9 =	vld.idx.msk [tilespmem:v10+s3+$0x0], $0xffff;
	v11 =	vadd.s32 s28, v1  }
0x2e2: {  	[tilespmem:s24+$0xFFFFFE70] =	vst v8;
	v13 =	vld.idx.msk [tilespmem:v13+s3+$0x0], $0xffff;
	v10 =	vadd.s32 s25, v2  }
0x2e3: {  	s30 =	simm.s32 $0xC;
	s29 =	simm.s32 $0xF;
	s0 =	simm.s32 $0x10;
	v17 =	vadd.s32 s31, v0;
	v8 =	vld.idx.msk [tilespmem:v19+s3+$0x0], $0xffff;
	[tilespmem:s23+$0xFFFFFF00] =	vst v18  }
.LBB2_27:
0x2e4: {  	p0 =	slt.u32 s0, $0x3C;
	v18 =	vadd.s32 s29, v1;
	v19 =	vld.idx.msk [tilespmem:v14+s3+$0x0], $0xffff;
	[tilespmem:s23+$0xFFFFFF80] =	vst v15;
	v15 =	vmov v4  }
0x2e5: {  	v21 =	vadd.s32 s21, v0;
	s21 =	smov.u32 s26;
	v20 =	vld.idx.msk [tilespmem:v12+s3+$0x0], $0xffff;
	[tilespmem:s23+$0xFFFFFE80] =	vst v16;
	v16 =	vmov v5;
	s23 =	smov.u32 s24  }
0x2e6: {  	v22 =	vadd.s32 s22, v0;
	s22 =	smov.u32 s28;
	s24 =	sadd.s32 $0x200, s24;
	v4 =	vld.idx.msk [tilespmem:v11+s3+$0x0], $0xffff;
	[tilespmem:s23+$0x0] =	vst v9  }
.Ltmp12:
0x2e7: {  	s26 =	sadd.s32 $0x1, s0;
	v14 =	vadd.s32 s20, v3;
	s20 =	smov.u32 s25;
	v5 =	vld.idx.msk [tilespmem:v10+s3+$0x0], $0xffff;
	[tilespmem:s24+$0xFFFFFFF0] =	vst v13;
	(pc) =	sbr.rel @p0 .LBB2_27-.Ltmp12, $4  }
0x2e8: {  	s28 =	sadd.s32 $0x2, s0;
	s25 =	smov.u32 s30;
	s30 =	smov.u32 s0;
	v12 =	vadd.s32 s26, v1;
	[tilespmem:s24+$0xFFFFFEF0] =	vst v6;
	v9 =	vld.idx.msk [tilespmem:v17+s3+$0x0], $0xffff;
	v6 =	vmov v7  }
0x2e9: {  	v11 =	vadd.s32 s28, v1;
	v13 =	vld.idx.msk [tilespmem:v18+s3+$0x0], $0xffff;
	[tilespmem:s24+$0xFFFFFF70] =	vst v15;
	v15 =	vmov v8  }
0x2ea: {  	v10 =	vadd.s32 s25, v2;
	[tilespmem:s24+$0xFFFFFE70] =	vst v16;
	v7 =	vld.idx.msk [tilespmem:v21+s3+$0x0], $0xffff;
	v16 =	vmov v19  }
0x2eb: {  	s0 =	sadd.s32 $0x4, s0;
	v17 =	vadd.s32 s29, v0;
	s29 =	sadd.s32 $0x3, s30;
	v8 =	vld.idx.msk [tilespmem:v22+s3+$0x0], $0xffff;
	[tilespmem:s23+$0xFFFFFF00] =	vst v6;
	v6 =	vmov v20  }
0x2ec: {  	_ = 	snop  }
0x2ed: {  	[tilespmem:s23+$0xFFFFFF80] =	vst v15  }
0x2ee: {  	v1 =	vadd.s32 s29, v1;
	[tilespmem:s23+$0xFFFFFE80] =	vst v16;
	s0 =	sadd.s32 $0x200, s24  }
0x2ef: {  	[tilespmem:s0+$0xFFFFFEF0] =	vst v6  }
0x2f0: {  	v2 =	vld.idx.msk [tilespmem:v14+s3+$0x0], $0xffff;
	[tilespmem:s0+$0xFFFFFF70] =	vst v4  }
0x2f1: {  	[tilespmem:s0+$0xFFFFFE70] =	vst v5;
	v5 =	vld.idx.msk [tilespmem:v12+s3+$0x0], $0xffff  }
0x2f2: {  	v6 =	vadd.s32 s21, v0;
	[tilespmem:s24+$0xFFFFFF00] =	vst v7;
	v7 =	vld.idx.msk [tilespmem:v11+s3+$0x0], $0xffff  }
0x2f3: {  	v4 =	vadd.s32 s22, v0;
	[tilespmem:s0+$0xFFFFFFF0] =	vst v13;
	v1 =	vld.idx.msk [tilespmem:v1+s3+$0x0], $0xffff  }
0x2f4: {  	[tilespmem:s24+$0xFFFFFF80] =	vst v8;
	v8 =	vld.idx.msk [tilespmem:v10+s3+$0x0], $0xffff;
	v10 =	vadd.s32 s26, v0  }
0x2f5: {  	[tilespmem:s24+$0x0] =	vst v9;
	v9 =	vld.idx.msk [tilespmem:v17+s3+$0x0], $0xffff;
	v11 =	vadd.s32 s29, v0;
	v0 =	vadd.s32 s28, v0  }
0x2f6: {  	v12 =	vadd.s32 s20, v3;
	s1 =	sadd.s32 $0x200, s0;
	[tilespmem:s24+$0xFFFFFE80] =	vst v2  }
0x2f7: {  	v2 =	vld.idx.msk [tilespmem:v6+s3+$0x0], $0xffff;
	[tilespmem:s1+$0xFFFFFEF0] =	vst v5  }
0x2f8: {  	v4 =	vld.idx.msk [tilespmem:v4+s3+$0x0], $0xffff;
	[tilespmem:s1+$0xFFFFFFF0] =	vst v1;
	v1 =	vadd.s32 s25, v3  }
0x2f9: {  	[tilespmem:s1+$0xFFFFFF70] =	vst v7;
	v6 =	vld.idx.msk [tilespmem:v10+s3+$0x0], $0xffff  }
0x2fa: {  	[tilespmem:s0+$0x0] =	vst v9;
	v0 =	vld.idx.msk [tilespmem:v0+s3+$0x0], $0xffff  }
0x2fb: {  	[tilespmem:s1+$0xFFFFFE70] =	vst v8;
	v3 =	vld.idx.msk [tilespmem:v12+s3+$0x0], $0xffff  }
0x2fc: {  	v5 =	vld.idx.msk [tilespmem:v11+s3+$0x0], $0xffff;
	[tilespmem:s0+$0xFFFFFF00] =	vst v2  }
0x2fd: {  	[tilespmem:s0+$0xFFFFFF80] =	vst v4;
	v1 =	vld.idx.msk [tilespmem:v1+s3+$0x0], $0xffff  }
0x2fe: {  	[tilespmem:s1+$0xFFFFFF00] =	vst v6  }
0x2ff: {  	[tilespmem:s1+$0xFFFFFF80] =	vst v0  }
0x300: {  	[tilespmem:s0+$0xFFFFFE80] =	vst v3  }
0x301: {  	[tilespmem:s1+$0x0] =	vst v5  }
0x302: {  	[tilespmem:s1+$0xFFFFFE80] =	vst v1  }
0x303: {  	v0 =	vld [tilespmem:s19+$0x11B20];
	_ =	sdelay $0x4  }
0x304: {  	v1 =	vmul.u32 $0x48, v0  }
0x305: {  	s20 =	simm.s32 $0x1  }
0x306: {  	s21 =	simm.s32 $0x3;
	v3 =	vadd.s32 s20, v1  }
0x307: {  	s22 =	simm.s32 $0x2;
	v0 =	vld [tilespmem:s19+$0x11B30];
	v4 =	vadd.s32 s21, v1  }
0x308: {  	s24 =	simm.s32 $0x5;
	v5 =	vadd.s32 s22, v1  }
0x309: {  	s25 =	simm.s32 $0x6;
	v6 =	vadd.s32 s24, v1  }
0x30a: {  	s26 =	simm.s32 $0x7;
	v7 =	vadd.s32 s25, v1;
	v10 =	vld.idx.msk [tilespmem:v1+s3+$0x0], $0xffff  }
0x30b: {  	s28 =	simm.s32 $0x0;
	v2 =	vor.u32 $0x4, v1;
	v11 =	vadd.s32 s26, v1;
	v3 =	vld.idx.msk [tilespmem:v3+s3+$0x0], $0xffff  }
0x30c: {  	v8 =	vadd.s32 s28, v2;
	v0 =	vmul.u32 $0x48, v0;
	v4 =	vld.idx.msk [tilespmem:v4+s3+$0x0], $0xffff  }
0x30d: {  	v5 =	vld.idx.msk [tilespmem:v5+s3+$0x0], $0xffff  }
0x30e: {  	v9 =	vadd.s32 s21, v0;
	v12 =	vld.idx.msk [tilespmem:v6+s3+$0x0], $0xffff  }
0x30f: {  	s23 =	simm.s32 $0x1DF30;
	v6 =	vadd.s32 s20, v0;
	v7 =	vld.idx.msk [tilespmem:v7+s3+$0x0], $0xffff  }
0x310: {  	v13 =	vadd.s32 s22, v0;
	s21 =	simm.s32 $0x9;
	v11 =	vld.idx.msk [tilespmem:v11+s3+$0x0], $0xffff;
	[tilespmem:s23+$0xFFFFFE70] =	vst v10  }
0x311: {  	s22 =	simm.s32 $0xA;
	v8 =	vld.idx.msk [tilespmem:v8+s3+$0x0], $0xffff;
	[tilespmem:s23+$0xFFFFFFF0] =	vst v4;
	v4 =	vadd.s32 s21, v1  }
0x312: {  	[tilespmem:s23+$0xFFFFFEF0] =	vst v3;
	v3 =	vadd.s32 s22, v1;
	v16 =	vld.idx.msk [tilespmem:v0+s3+$0x0], $0xffff  }
0x313: {  	s20 =	simm.s32 $0x4;
	v17 =	vadd.s32 s24, v0;
	v9 =	vld.idx.msk [tilespmem:v9+s3+$0x0], $0xffff  }
0x314: {  	[tilespmem:s23+$0xFFFFFF70] =	vst v5;
	v5 =	vadd.s32 s20, v2;
	v18 =	vld.idx.msk [tilespmem:v6+s3+$0x0], $0xffff  }
0x315: {  	s31 =	simm.s32 $0xB;
	v10 =	vadd.s32 s26, v0;
	v15 =	vld.idx.msk [tilespmem:v13+s3+$0x0], $0xffff  }
0x316: {  	s24 =	simm.s32 $0x1E130;
	v13 =	vadd.s32 s31, v1;
	v6 =	vld.idx.msk [tilespmem:v4+s3+$0x0], $0xffff  }
0x317: {  	v19 =	vadd.s32 s25, v0;
	[tilespmem:s24+$0xFFFFFEF0] =	vst v12;
	v4 =	vld.idx.msk [tilespmem:v3+s3+$0x0], $0xffff;
	v3 =	vor.u32 $0x4, v0  }
0x318: {  	s26 =	simm.s32 $0xD;
	[tilespmem:s24+$0xFFFFFF70] =	vst v7;
	v7 =	vld.idx.msk [tilespmem:v17+s3+$0x0], $0xffff;
	v14 =	vadd.s32 s28, v3  }
0x319: {  	[tilespmem:s24+$0xFFFFFFF0] =	vst v11;
	v12 =	vadd.s32 s26, v1;
	v5 =	vld.idx.msk [tilespmem:v5+s3+$0x0], $0xffff;
	s28 =	simm.s32 $0xE  }
0x31a: {  	s25 =	simm.s32 $0x8;
	[tilespmem:s23+$0x0] =	vst v9;
	v9 =	vld.idx.msk [tilespmem:v10+s3+$0x0], $0xffff;
	v11 =	vadd.s32 s28, v1  }
0x31b: {  	[tilespmem:s24+$0xFFFFFE70] =	vst v8;
	v13 =	vld.idx.msk [tilespmem:v13+s3+$0x0], $0xffff;
	v10 =	vadd.s32 s25, v2  }
0x31c: {  	s30 =	simm.s32 $0xC;
	s29 =	simm.s32 $0xF;
	s0 =	simm.s32 $0x10;
	v17 =	vadd.s32 s31, v0;
	v8 =	vld.idx.msk [tilespmem:v19+s3+$0x0], $0xffff;
	[tilespmem:s23+$0xFFFFFF00] =	vst v18  }
.LBB2_29:
0x31d: {  	p0 =	slt.u32 s0, $0x3C;
	v18 =	vadd.s32 s29, v1;
	v19 =	vld.idx.msk [tilespmem:v14+s3+$0x0], $0xffff;
	[tilespmem:s23+$0xFFFFFF80] =	vst v15;
	v15 =	vmov v4  }
0x31e: {  	v21 =	vadd.s32 s21, v0;
	s21 =	smov.u32 s26;
	v20 =	vld.idx.msk [tilespmem:v12+s3+$0x0], $0xffff;
	[tilespmem:s23+$0xFFFFFE80] =	vst v16;
	v16 =	vmov v5;
	s23 =	smov.u32 s24  }
0x31f: {  	v22 =	vadd.s32 s22, v0;
	s22 =	smov.u32 s28;
	s24 =	sadd.s32 $0x200, s24;
	v4 =	vld.idx.msk [tilespmem:v11+s3+$0x0], $0xffff;
	[tilespmem:s23+$0x0] =	vst v9  }
.Ltmp13:
0x320: {  	s26 =	sadd.s32 $0x1, s0;
	v14 =	vadd.s32 s20, v3;
	s20 =	smov.u32 s25;
	v5 =	vld.idx.msk [tilespmem:v10+s3+$0x0], $0xffff;
	[tilespmem:s24+$0xFFFFFFF0] =	vst v13;
	(pc) =	sbr.rel @p0 .LBB2_29-.Ltmp13, $4  }
0x321: {  	s28 =	sadd.s32 $0x2, s0;
	s25 =	smov.u32 s30;
	s30 =	smov.u32 s0;
	v12 =	vadd.s32 s26, v1;
	[tilespmem:s24+$0xFFFFFEF0] =	vst v6;
	v9 =	vld.idx.msk [tilespmem:v17+s3+$0x0], $0xffff;
	v6 =	vmov v7  }
0x322: {  	v11 =	vadd.s32 s28, v1;
	v13 =	vld.idx.msk [tilespmem:v18+s3+$0x0], $0xffff;
	[tilespmem:s24+$0xFFFFFF70] =	vst v15;
	v15 =	vmov v8  }
0x323: {  	v10 =	vadd.s32 s25, v2;
	[tilespmem:s24+$0xFFFFFE70] =	vst v16;
	v7 =	vld.idx.msk [tilespmem:v21+s3+$0x0], $0xffff;
	v16 =	vmov v19  }
0x324: {  	s0 =	sadd.s32 $0x4, s0;
	v17 =	vadd.s32 s29, v0;
	s29 =	sadd.s32 $0x3, s30;
	v8 =	vld.idx.msk [tilespmem:v22+s3+$0x0], $0xffff;
	[tilespmem:s23+$0xFFFFFF00] =	vst v6;
	v6 =	vmov v20  }
0x325: {  	_ = 	snop  }
0x326: {  	[tilespmem:s23+$0xFFFFFF80] =	vst v15  }
0x327: {  	v1 =	vadd.s32 s29, v1;
	[tilespmem:s23+$0xFFFFFE80] =	vst v16;
	s0 =	sadd.s32 $0x200, s24  }
0x328: {  	[tilespmem:s0+$0xFFFFFEF0] =	vst v6  }
0x329: {  	v2 =	vld.idx.msk [tilespmem:v14+s3+$0x0], $0xffff;
	[tilespmem:s0+$0xFFFFFF70] =	vst v4  }
0x32a: {  	[tilespmem:s0+$0xFFFFFE70] =	vst v5;
	v5 =	vld.idx.msk [tilespmem:v12+s3+$0x0], $0xffff  }
0x32b: {  	v6 =	vadd.s32 s21, v0;
	[tilespmem:s24+$0xFFFFFF00] =	vst v7;
	v7 =	vld.idx.msk [tilespmem:v11+s3+$0x0], $0xffff  }
0x32c: {  	v4 =	vadd.s32 s22, v0;
	[tilespmem:s0+$0xFFFFFFF0] =	vst v13;
	v1 =	vld.idx.msk [tilespmem:v1+s3+$0x0], $0xffff  }
0x32d: {  	[tilespmem:s24+$0xFFFFFF80] =	vst v8;
	v8 =	vld.idx.msk [tilespmem:v10+s3+$0x0], $0xffff;
	v10 =	vadd.s32 s26, v0  }
0x32e: {  	[tilespmem:s24+$0x0] =	vst v9;
	v9 =	vld.idx.msk [tilespmem:v17+s3+$0x0], $0xffff;
	v11 =	vadd.s32 s29, v0;
	v0 =	vadd.s32 s28, v0  }
0x32f: {  	v12 =	vadd.s32 s20, v3;
	s1 =	sadd.s32 $0x200, s0;
	[tilespmem:s24+$0xFFFFFE80] =	vst v2  }
0x330: {  	v2 =	vld.idx.msk [tilespmem:v6+s3+$0x0], $0xffff;
	[tilespmem:s1+$0xFFFFFEF0] =	vst v5  }
0x331: {  	v4 =	vld.idx.msk [tilespmem:v4+s3+$0x0], $0xffff;
	[tilespmem:s1+$0xFFFFFFF0] =	vst v1;
	v1 =	vadd.s32 s25, v3  }
0x332: {  	[tilespmem:s1+$0xFFFFFF70] =	vst v7;
	v6 =	vld.idx.msk [tilespmem:v10+s3+$0x0], $0xffff  }
0x333: {  	[tilespmem:s0+$0x0] =	vst v9;
	v0 =	vld.idx.msk [tilespmem:v0+s3+$0x0], $0xffff  }
0x334: {  	[tilespmem:s1+$0xFFFFFE70] =	vst v8;
	v3 =	vld.idx.msk [tilespmem:v12+s3+$0x0], $0xffff  }
0x335: {  	v5 =	vld.idx.msk [tilespmem:v11+s3+$0x0], $0xffff;
	[tilespmem:s0+$0xFFFFFF00] =	vst v2  }
0x336: {  	[tilespmem:s0+$0xFFFFFF80] =	vst v4;
	v1 =	vld.idx.msk [tilespmem:v1+s3+$0x0], $0xffff  }
0x337: {  	[tilespmem:s1+$0xFFFFFF00] =	vst v6  }
0x338: {  	[tilespmem:s1+$0xFFFFFF80] =	vst v0  }
0x339: {  	[tilespmem:s0+$0xFFFFFE80] =	vst v3  }
0x33a: {  	[tilespmem:s1+$0x0] =	vst v5  }
0x33b: {  	[tilespmem:s1+$0xFFFFFE80] =	vst v1  }
0x33c: {  	v0 =	vld [tilespmem:s19+$0x11B40];
	_ =	sdelay $0x4  }
0x33d: {  	v1 =	vmul.u32 $0x48, v0  }
0x33e: {  	s20 =	simm.s32 $0x1  }
0x33f: {  	s21 =	simm.s32 $0x3;
	v3 =	vadd.s32 s20, v1  }
0x340: {  	s22 =	simm.s32 $0x2;
	v0 =	vld [tilespmem:s19+$0x11B50];
	v4 =	vadd.s32 s21, v1  }
0x341: {  	s24 =	simm.s32 $0x5;
	v5 =	vadd.s32 s22, v1  }
0x342: {  	s25 =	simm.s32 $0x6;
	v6 =	vadd.s32 s24, v1  }
0x343: {  	s26 =	simm.s32 $0x7;
	v7 =	vadd.s32 s25, v1;
	v10 =	vld.idx.msk [tilespmem:v1+s3+$0x0], $0xffff  }
0x344: {  	s28 =	simm.s32 $0x0;
	v2 =	vor.u32 $0x4, v1;
	v11 =	vadd.s32 s26, v1;
	v3 =	vld.idx.msk [tilespmem:v3+s3+$0x0], $0xffff  }
0x345: {  	v8 =	vadd.s32 s28, v2;
	v0 =	vmul.u32 $0x48, v0;
	v4 =	vld.idx.msk [tilespmem:v4+s3+$0x0], $0xffff  }
0x346: {  	v5 =	vld.idx.msk [tilespmem:v5+s3+$0x0], $0xffff  }
0x347: {  	v9 =	vadd.s32 s21, v0;
	v12 =	vld.idx.msk [tilespmem:v6+s3+$0x0], $0xffff  }
0x348: {  	s23 =	simm.s32 $0x1DF50;
	v6 =	vadd.s32 s20, v0;
	v7 =	vld.idx.msk [tilespmem:v7+s3+$0x0], $0xffff  }
0x349: {  	v13 =	vadd.s32 s22, v0;
	s21 =	simm.s32 $0x9;
	v11 =	vld.idx.msk [tilespmem:v11+s3+$0x0], $0xffff;
	[tilespmem:s23+$0xFFFFFE70] =	vst v10  }
0x34a: {  	s22 =	simm.s32 $0xA;
	v8 =	vld.idx.msk [tilespmem:v8+s3+$0x0], $0xffff;
	[tilespmem:s23+$0xFFFFFFF0] =	vst v4;
	v4 =	vadd.s32 s21, v1  }
0x34b: {  	[tilespmem:s23+$0xFFFFFEF0] =	vst v3;
	v3 =	vadd.s32 s22, v1;
	v16 =	vld.idx.msk [tilespmem:v0+s3+$0x0], $0xffff  }
0x34c: {  	s20 =	simm.s32 $0x4;
	v17 =	vadd.s32 s24, v0;
	v9 =	vld.idx.msk [tilespmem:v9+s3+$0x0], $0xffff  }
0x34d: {  	[tilespmem:s23+$0xFFFFFF70] =	vst v5;
	v5 =	vadd.s32 s20, v2;
	v18 =	vld.idx.msk [tilespmem:v6+s3+$0x0], $0xffff  }
0x34e: {  	s31 =	simm.s32 $0xB;
	v10 =	vadd.s32 s26, v0;
	v15 =	vld.idx.msk [tilespmem:v13+s3+$0x0], $0xffff  }
0x34f: {  	s24 =	simm.s32 $0x1E150;
	v13 =	vadd.s32 s31, v1;
	v6 =	vld.idx.msk [tilespmem:v4+s3+$0x0], $0xffff  }
0x350: {  	v19 =	vadd.s32 s25, v0;
	[tilespmem:s24+$0xFFFFFEF0] =	vst v12;
	v4 =	vld.idx.msk [tilespmem:v3+s3+$0x0], $0xffff;
	v3 =	vor.u32 $0x4, v0  }
0x351: {  	s26 =	simm.s32 $0xD;
	[tilespmem:s24+$0xFFFFFF70] =	vst v7;
	v7 =	vld.idx.msk [tilespmem:v17+s3+$0x0], $0xffff;
	v14 =	vadd.s32 s28, v3  }
0x352: {  	[tilespmem:s24+$0xFFFFFFF0] =	vst v11;
	v12 =	vadd.s32 s26, v1;
	v5 =	vld.idx.msk [tilespmem:v5+s3+$0x0], $0xffff;
	s28 =	simm.s32 $0xE  }
0x353: {  	s25 =	simm.s32 $0x8;
	[tilespmem:s23+$0x0] =	vst v9;
	v9 =	vld.idx.msk [tilespmem:v10+s3+$0x0], $0xffff;
	v11 =	vadd.s32 s28, v1  }
0x354: {  	[tilespmem:s24+$0xFFFFFE70] =	vst v8;
	v13 =	vld.idx.msk [tilespmem:v13+s3+$0x0], $0xffff;
	v10 =	vadd.s32 s25, v2  }
0x355: {  	s30 =	simm.s32 $0xC;
	s29 =	simm.s32 $0xF;
	s0 =	simm.s32 $0x10;
	v17 =	vadd.s32 s31, v0;
	v8 =	vld.idx.msk [tilespmem:v19+s3+$0x0], $0xffff;
	[tilespmem:s23+$0xFFFFFF00] =	vst v18  }
.LBB2_31:
0x356: {  	p0 =	slt.u32 s0, $0x3C;
	v18 =	vadd.s32 s29, v1;
	v19 =	vld.idx.msk [tilespmem:v14+s3+$0x0], $0xffff;
	[tilespmem:s23+$0xFFFFFF80] =	vst v15;
	v15 =	vmov v4  }
0x357: {  	v21 =	vadd.s32 s21, v0;
	s21 =	smov.u32 s26;
	v20 =	vld.idx.msk [tilespmem:v12+s3+$0x0], $0xffff;
	[tilespmem:s23+$0xFFFFFE80] =	vst v16;
	v16 =	vmov v5;
	s23 =	smov.u32 s24  }
0x358: {  	v22 =	vadd.s32 s22, v0;
	s22 =	smov.u32 s28;
	s24 =	sadd.s32 $0x200, s24;
	v4 =	vld.idx.msk [tilespmem:v11+s3+$0x0], $0xffff;
	[tilespmem:s23+$0x0] =	vst v9  }
.Ltmp14:
0x359: {  	s26 =	sadd.s32 $0x1, s0;
	v14 =	vadd.s32 s20, v3;
	s20 =	smov.u32 s25;
	v5 =	vld.idx.msk [tilespmem:v10+s3+$0x0], $0xffff;
	[tilespmem:s24+$0xFFFFFFF0] =	vst v13;
	(pc) =	sbr.rel @p0 .LBB2_31-.Ltmp14, $4  }
0x35a: {  	s28 =	sadd.s32 $0x2, s0;
	s25 =	smov.u32 s30;
	s30 =	smov.u32 s0;
	v12 =	vadd.s32 s26, v1;
	[tilespmem:s24+$0xFFFFFEF0] =	vst v6;
	v9 =	vld.idx.msk [tilespmem:v17+s3+$0x0], $0xffff;
	v6 =	vmov v7  }
0x35b: {  	v11 =	vadd.s32 s28, v1;
	v13 =	vld.idx.msk [tilespmem:v18+s3+$0x0], $0xffff;
	[tilespmem:s24+$0xFFFFFF70] =	vst v15;
	v15 =	vmov v8  }
0x35c: {  	v10 =	vadd.s32 s25, v2;
	[tilespmem:s24+$0xFFFFFE70] =	vst v16;
	v7 =	vld.idx.msk [tilespmem:v21+s3+$0x0], $0xffff;
	v16 =	vmov v19  }
0x35d: {  	s0 =	sadd.s32 $0x4, s0;
	v17 =	vadd.s32 s29, v0;
	s29 =	sadd.s32 $0x3, s30;
	v8 =	vld.idx.msk [tilespmem:v22+s3+$0x0], $0xffff;
	[tilespmem:s23+$0xFFFFFF00] =	vst v6;
	v6 =	vmov v20  }
0x35e: {  	_ = 	snop  }
0x35f: {  	[tilespmem:s23+$0xFFFFFF80] =	vst v15  }
0x360: {  	v1 =	vadd.s32 s29, v1;
	[tilespmem:s23+$0xFFFFFE80] =	vst v16;
	s0 =	sadd.s32 $0x200, s24  }
0x361: {  	[tilespmem:s0+$0xFFFFFEF0] =	vst v6  }
0x362: {  	v2 =	vld.idx.msk [tilespmem:v14+s3+$0x0], $0xffff;
	[tilespmem:s0+$0xFFFFFF70] =	vst v4  }
0x363: {  	[tilespmem:s0+$0xFFFFFE70] =	vst v5;
	v5 =	vld.idx.msk [tilespmem:v12+s3+$0x0], $0xffff  }
0x364: {  	v6 =	vadd.s32 s21, v0;
	[tilespmem:s24+$0xFFFFFF00] =	vst v7;
	v7 =	vld.idx.msk [tilespmem:v11+s3+$0x0], $0xffff  }
0x365: {  	v4 =	vadd.s32 s22, v0;
	[tilespmem:s0+$0xFFFFFFF0] =	vst v13;
	v1 =	vld.idx.msk [tilespmem:v1+s3+$0x0], $0xffff  }
0x366: {  	[tilespmem:s24+$0xFFFFFF80] =	vst v8;
	v8 =	vld.idx.msk [tilespmem:v10+s3+$0x0], $0xffff;
	v10 =	vadd.s32 s26, v0  }
0x367: {  	[tilespmem:s24+$0x0] =	vst v9;
	v9 =	vld.idx.msk [tilespmem:v17+s3+$0x0], $0xffff;
	v11 =	vadd.s32 s29, v0;
	v0 =	vadd.s32 s28, v0  }
0x368: {  	v12 =	vadd.s32 s20, v3;
	s1 =	sadd.s32 $0x200, s0;
	[tilespmem:s24+$0xFFFFFE80] =	vst v2  }
0x369: {  	v2 =	vld.idx.msk [tilespmem:v6+s3+$0x0], $0xffff;
	[tilespmem:s1+$0xFFFFFEF0] =	vst v5  }
0x36a: {  	v4 =	vld.idx.msk [tilespmem:v4+s3+$0x0], $0xffff;
	[tilespmem:s1+$0xFFFFFFF0] =	vst v1;
	v1 =	vadd.s32 s25, v3  }
0x36b: {  	[tilespmem:s1+$0xFFFFFF70] =	vst v7;
	v6 =	vld.idx.msk [tilespmem:v10+s3+$0x0], $0xffff  }
0x36c: {  	[tilespmem:s0+$0x0] =	vst v9;
	v0 =	vld.idx.msk [tilespmem:v0+s3+$0x0], $0xffff  }
0x36d: {  	[tilespmem:s1+$0xFFFFFE70] =	vst v8;
	v3 =	vld.idx.msk [tilespmem:v12+s3+$0x0], $0xffff  }
0x36e: {  	v5 =	vld.idx.msk [tilespmem:v11+s3+$0x0], $0xffff;
	[tilespmem:s0+$0xFFFFFF00] =	vst v2  }
0x36f: {  	[tilespmem:s0+$0xFFFFFF80] =	vst v4;
	v1 =	vld.idx.msk [tilespmem:v1+s3+$0x0], $0xffff  }
0x370: {  	[tilespmem:s1+$0xFFFFFF00] =	vst v6  }
0x371: {  	[tilespmem:s1+$0xFFFFFF80] =	vst v0  }
0x372: {  	[tilespmem:s0+$0xFFFFFE80] =	vst v3  }
0x373: {  	[tilespmem:s1+$0x0] =	vst v5  }
0x374: {  	[tilespmem:s1+$0xFFFFFE80] =	vst v1  }
0x375: {  	v0 =	vld [tilespmem:s19+$0x11B60];
	_ =	sdelay $0x4  }
0x376: {  	v1 =	vmul.u32 $0x48, v0  }
0x377: {  	s21 =	simm.s32 $0x1  }
0x378: {  	s22 =	simm.s32 $0x3;
	v3 =	vadd.s32 s21, v1  }
0x379: {  	s25 =	simm.s32 $0x2;
	v0 =	vld [tilespmem:s19+$0x11B70];
	v4 =	vadd.s32 s22, v1  }
0x37a: {  	s23 =	simm.s32 $0x5;
	v5 =	vadd.s32 s25, v1  }
0x37b: {  	s24 =	simm.s32 $0x6;
	v6 =	vadd.s32 s23, v1  }
0x37c: {  	s30 =	simm.s32 $0x7;
	v7 =	vadd.s32 s24, v1;
	v10 =	vld.idx.msk [tilespmem:v1+s3+$0x0], $0xffff  }
0x37d: {  	s26 =	simm.s32 $0x0;
	v2 =	vor.u32 $0x4, v1;
	v11 =	vadd.s32 s30, v1;
	v3 =	vld.idx.msk [tilespmem:v3+s3+$0x0], $0xffff  }
0x37e: {  	v8 =	vadd.s32 s26, v2;
	v0 =	vmul.u32 $0x48, v0;
	v4 =	vld.idx.msk [tilespmem:v4+s3+$0x0], $0xffff  }
0x37f: {  	v5 =	vld.idx.msk [tilespmem:v5+s3+$0x0], $0xffff  }
0x380: {  	v9 =	vadd.s32 s22, v0;
	v12 =	vld.idx.msk [tilespmem:v6+s3+$0x0], $0xffff  }
0x381: {  	v6 =	vadd.s32 s21, v0;
	s22 =	simm.s32 $0x1DF70;
	v7 =	vld.idx.msk [tilespmem:v7+s3+$0x0], $0xffff  }
0x382: {  	s20 =	simm.s32 $0x9;
	v13 =	vadd.s32 s25, v0;
	v11 =	vld.idx.msk [tilespmem:v11+s3+$0x0], $0xffff;
	[tilespmem:s22+$0xFFFFFE70] =	vst v10  }
0x383: {  	s21 =	simm.s32 $0xA;
	v8 =	vld.idx.msk [tilespmem:v8+s3+$0x0], $0xffff;
	[tilespmem:s22+$0xFFFFFFF0] =	vst v4;
	v4 =	vadd.s32 s20, v1  }
0x384: {  	[tilespmem:s22+$0xFFFFFEF0] =	vst v3;
	v3 =	vadd.s32 s21, v1;
	v16 =	vld.idx.msk [tilespmem:v0+s3+$0x0], $0xffff  }
0x385: {  	s19 =	simm.s32 $0x4;
	v17 =	vadd.s32 s23, v0;
	v9 =	vld.idx.msk [tilespmem:v9+s3+$0x0], $0xffff  }
0x386: {  	[tilespmem:s22+$0xFFFFFF70] =	vst v5;
	v5 =	vadd.s32 s19, v2;
	v18 =	vld.idx.msk [tilespmem:v6+s3+$0x0], $0xffff  }
0x387: {  	s31 =	simm.s32 $0xB;
	v10 =	vadd.s32 s30, v0;
	v15 =	vld.idx.msk [tilespmem:v13+s3+$0x0], $0xffff  }
0x388: {  	s23 =	simm.s32 $0x1E170;
	v13 =	vadd.s32 s31, v1;
	v6 =	vld.idx.msk [tilespmem:v4+s3+$0x0], $0xffff  }
0x389: {  	v19 =	vadd.s32 s24, v0;
	[tilespmem:s23+$0xFFFFFEF0] =	vst v12;
	v4 =	vld.idx.msk [tilespmem:v3+s3+$0x0], $0xffff;
	v3 =	vor.u32 $0x4, v0  }
0x38a: {  	s25 =	simm.s32 $0xD;
	[tilespmem:s23+$0xFFFFFF70] =	vst v7;
	v7 =	vld.idx.msk [tilespmem:v17+s3+$0x0], $0xffff;
	v14 =	vadd.s32 s26, v3  }
0x38b: {  	[tilespmem:s23+$0xFFFFFFF0] =	vst v11;
	v12 =	vadd.s32 s25, v1;
	v5 =	vld.idx.msk [tilespmem:v5+s3+$0x0], $0xffff;
	s26 =	simm.s32 $0xE  }
0x38c: {  	s24 =	simm.s32 $0x8;
	[tilespmem:s22+$0x0] =	vst v9;
	v9 =	vld.idx.msk [tilespmem:v10+s3+$0x0], $0xffff;
	v11 =	vadd.s32 s26, v1  }
0x38d: {  	[tilespmem:s23+$0xFFFFFE70] =	vst v8;
	v13 =	vld.idx.msk [tilespmem:v13+s3+$0x0], $0xffff;
	v10 =	vadd.s32 s24, v2  }
0x38e: {  	s29 =	simm.s32 $0xC;
	s28 =	simm.s32 $0xF;
	s0 =	simm.s32 $0x10;
	v17 =	vadd.s32 s31, v0;
	v8 =	vld.idx.msk [tilespmem:v19+s3+$0x0], $0xffff;
	[tilespmem:s22+$0xFFFFFF00] =	vst v18  }
.LBB2_33:
0x38f: {  	p0 =	slt.u32 s0, $0x3C;
	v18 =	vadd.s32 s28, v1;
	v19 =	vld.idx.msk [tilespmem:v14+s3+$0x0], $0xffff;
	[tilespmem:s22+$0xFFFFFF80] =	vst v15;
	v15 =	vmov v4  }
0x390: {  	v21 =	vadd.s32 s20, v0;
	s20 =	smov.u32 s25;
	v20 =	vld.idx.msk [tilespmem:v12+s3+$0x0], $0xffff;
	[tilespmem:s22+$0xFFFFFE80] =	vst v16;
	v16 =	vmov v5;
	s22 =	smov.u32 s23  }
0x391: {  	v22 =	vadd.s32 s21, v0;
	s21 =	smov.u32 s26;
	s23 =	sadd.s32 $0x200, s23;
	v4 =	vld.idx.msk [tilespmem:v11+s3+$0x0], $0xffff;
	[tilespmem:s22+$0x0] =	vst v9  }
.Ltmp15:
0x392: {  	s25 =	sadd.s32 $0x1, s0;
	v14 =	vadd.s32 s19, v3;
	s19 =	smov.u32 s24;
	v5 =	vld.idx.msk [tilespmem:v10+s3+$0x0], $0xffff;
	[tilespmem:s23+$0xFFFFFFF0] =	vst v13;
	(pc) =	sbr.rel @p0 .LBB2_33-.Ltmp15, $4  }
0x393: {  	s26 =	sadd.s32 $0x2, s0;
	s24 =	smov.u32 s29;
	s29 =	smov.u32 s0;
	v12 =	vadd.s32 s25, v1;
	[tilespmem:s23+$0xFFFFFEF0] =	vst v6;
	v9 =	vld.idx.msk [tilespmem:v17+s3+$0x0], $0xffff;
	v6 =	vmov v7  }
0x394: {  	v11 =	vadd.s32 s26, v1;
	v13 =	vld.idx.msk [tilespmem:v18+s3+$0x0], $0xffff;
	[tilespmem:s23+$0xFFFFFF70] =	vst v15;
	v15 =	vmov v8  }
0x395: {  	v10 =	vadd.s32 s24, v2;
	[tilespmem:s23+$0xFFFFFE70] =	vst v16;
	v7 =	vld.idx.msk [tilespmem:v21+s3+$0x0], $0xffff;
	v16 =	vmov v19  }
0x396: {  	s0 =	sadd.s32 $0x4, s0;
	v17 =	vadd.s32 s28, v0;
	s28 =	sadd.s32 $0x3, s29;
	v8 =	vld.idx.msk [tilespmem:v22+s3+$0x0], $0xffff;
	[tilespmem:s22+$0xFFFFFF00] =	vst v6;
	v6 =	vmov v20  }
0x397: {  	[tilespmem:s22+$0xFFFFFF80] =	vst v15  }
0x398: {  	[tilespmem:s22+$0xFFFFFE80] =	vst v16  }
0x399: {  	s0 =	sadd.s32 $0x200, s23;
	[tilespmem:s23+$0x0] =	vst v9  }
0x39a: {  	[tilespmem:s0+$0xFFFFFEF0] =	vst v6  }
0x39b: {  	v1 =	vadd.s32 s28, v1;
	v2 =	vld.idx.msk [tilespmem:v14+s3+$0x0], $0xffff;
	[tilespmem:s0+$0xFFFFFF70] =	vst v4  }
0x39c: {  	v49 =	vadd.s32 s20, v0;
	v52 =	vld.idx.msk [tilespmem:v12+s3+$0x0], $0xffff;
	[tilespmem:s0+$0xFFFFFE70] =	vst v5  }
0x39d: {  	v51 =	vadd.s32 s21, v0;
	v54 =	vld.idx.msk [tilespmem:v11+s3+$0x0], $0xffff;
	[tilespmem:s0+$0xFFFFFFF0] =	vst v13  }
0x39e: {  	v53 =	vadd.s32 s19, v3;
	v56 =	vld.idx.msk [tilespmem:v10+s3+$0x0], $0xffff;
	[tilespmem:s23+$0xFFFFFF00] =	vst v7  }
0x39f: {  	v57 =	vadd.s32 s25, v0;
	v50 =	vld.idx.msk [tilespmem:v17+s3+$0x0], $0xffff;
	[tilespmem:s23+$0xFFFFFF80] =	vst v8  }
0x3a0: {  	v59 =	vadd.s32 s26, v0;
	s1 =	sadd.s32 $0x200, s0;
	v1 =	vld.idx.msk [tilespmem:v1+s3+$0x0], $0xffff;
	[tilespmem:s23+$0xFFFFFE80] =	vst v2  }
0x3a1: {  	v60 =	vadd.s32 s24, v3;
	v58 =	vld.idx.msk [tilespmem:v49+s3+$0x0], $0xffff;
	[tilespmem:s1+$0xFFFFFEF0] =	vst v52  }
0x3a2: {  	v55 =	vadd.s32 s28, v0;
	v4 =	vld.idx.msk [tilespmem:v51+s3+$0x0], $0xffff;
	[tilespmem:s1+$0xFFFFFF70] =	vst v54  }
0x3a3: {  	v61 =	vld.idx.msk [tilespmem:v53+s3+$0x0], $0xffff;
	[tilespmem:s1+$0xFFFFFE70] =	vst v56  }
0x3a4: {  	v63 =	vld.idx.msk [tilespmem:v57+s3+$0x0], $0xffff;
	[tilespmem:s0+$0x0] =	vst v50  }
0x3a5: {  	v0 =	vld.idx.msk [tilespmem:v59+s3+$0x0], $0xffff;
	[tilespmem:s1+$0xFFFFFFF0] =	vst v1  }
0x3a6: {  	[tilespmem:s0+$0xFFFFFF00] =	vst v58;
	v1 =	vld.idx.msk [tilespmem:v60+s3+$0x0], $0xffff  }
0x3a7: {  	s17 =	sadd.s32 $0x1, s17;
	[tilespmem:s0+$0xFFFFFF80] =	vst v4;
	v62 =	vld.idx.msk [tilespmem:v55+s3+$0x0], $0xffff  }
0x3a8: {  	p0 =	sne.s32 s17, $0x32;
	[tilespmem:s0+$0xFFFFFE80] =	vst v61  }
.Ltmp16:
0x3a9: {  	s31 =	sshll.u32 s18, $0x12;
	[tilespmem:s1+$0xFFFFFF00] =	vst v63;
	(pc) =	sbr.rel @p0 .LBB2_2-.Ltmp16, $4  }
0x3aa: {  	s0 =	sor.u32 s4, s31;
	[tilespmem:s1+$0xFFFFFF80] =	vst v0  }
0x3ab: {  	s0 =	sshrl.u32 s0, $0x3;
	[tilespmem:s1+$0xFFFFFE80] =	vst v1  }
0x3ac: {  	s0 =	sadd.s32 s2, s0;
	[tilespmem:s1+$0x0] =	vst v62  }
0x3ad: {  	[hbm4b:s0+s9] =	stream.strided.scatter [tilespmem:s13], [sflag:$0x2], $0x4000, s10, s9, $0x38;
	[tilespmem:$0x1FD80] =	vst v63  }
0x3ae: {  	s16 =	sadd.s32 $0x1, s16  }
0x3af: {  	_ =	swait.ge [sflag:s14], $0x4000;
	p0 =	sne.s32 s16, s7  }
.Ltmp17:
0x3b0: {  	[sflag:s14] =	ssyncset.done $0x0;
	(pc) =	sbr.rel @p0 .LBB2_1-.Ltmp17, $4  }
0x3b1: {  	[sflag:s14] =	ssyncadd.s32 $0xFFFFC000  }
0x3b2: {  	_ =	swait.ge [sflag:s15], $0x4000  }
0x3b3: {  	[sflag:s15] =	ssyncset.done $0x0  }
0x3b4: {  	[sflag:s15] =	ssyncadd.s32 $0xFFFFC000  }
0x3b5: {  	_ =	sfence.sel $0x180000  }
0x3b6: {  	[bflag:$0x0] =	sbarrier.arrive $0xFFFF  }
0x3b7: {  	_ =	strace $0x90000047  }
0x3b8: {  	s0 =	stileid.u32;
	[bflag:$0x2] =	sbarrier.arrive $0xFFFF  }
0x3b9: {  	p0 =	sne.s32 s0, $0x0;
	s0 =	rddreg [dreg:$0x3]  }
0x3ba: {  	s0 =	sadd.s32 @!p0 $0x100000, s0  }
0x3bb: {  	[sflag:s0] =	ssyncadd.tile.s32 @!p0 $0x1;
	_ =	shalt  }
.Lfunc_end2:
_tile_overlayer_lowered:
.L_overlay_start_2:
0x3bc: {  	(tag) =	ssettag $0x2  }
0x3bd: {  	s0 =	rddreg [dreg:$0x0];
	s2 =	stileid.u32  }
0x3be: {  	s1 =	rddreg [dreg:$0x1];
	p0 =	sne.s32 s2, $0x0  }
0x3bf: {  	s3 =	rddreg [dreg:$0x2];
	[bflag:$0x3] =	sbarrier.arrive $0xFFFF;
	s2 =	simm.s32 @!p0 $0x1C03  }
0x3c0: {  	[timem:s3], [sflag:s2] =	dma.local @!p0 [hbm:s0], s1  }
0x3c1: {  	s0 =	simm.s32 @!p0 $0x3  }
0x3c2: {  	_ =	swait.ge @!p0 [sflag:s0], s1  }
0x3c3: {  	s1 =	ssub.s32 @!p0 $0x0, s1;
	[sflag:s0] =	ssyncset.done @!p0 $0x0  }
0x3c4: {  	[sflag:s0] =	ssyncadd.s32 @!p0 s1  }
0x3c5: {  	[bflag:$0x3] =	sbarrier.arrive $0xFFFF  }
0x3c6: {  	_ =	shalt  }

</sc_bundles>
